<compile_context>
chip_gen: v7x
topology: tpu7x:2x2x1
jax: 0.10.2.dev20260603
libtpu: 0.0.44.dev20260713+nightly
codegen_flags: <defaults>
</compile_context>

<pallas_src>
import functools

import jax
import jax.numpy as jnp
from jax import lax
from jax.experimental import pallas as pl
from jax.experimental.pallas import tpu as pltpu
from jax.experimental.pallas import tpu_sc as plsc


_CHUNK_ROWS = 16


def kernel(x):
    b, s, d = x.shape
    rows = b * s
    x2 = x.reshape(rows, d)
    info = plsc.get_sparse_core_info()
    nc, ns = info.num_cores, info.num_subcores
    nw = nc * ns
    rpw = rows // nw
    n_chunks = rpw // _CHUNK_ROWS
    mesh = plsc.VectorSubcoreMesh(core_axis_name="c", subcore_axis_name="s")

    @functools.partial(
        pl.kernel,
        out_type=jax.ShapeDtypeStruct((rows, d), x.dtype),
        mesh=mesh,
        scratch_types=[
            pltpu.VMEM((_CHUNK_ROWS, d), x.dtype),
            pltpu.VMEM((_CHUNK_ROWS, d), x.dtype),
            pltpu.VMEM((_CHUNK_ROWS, d), x.dtype),
            pltpu.SemaphoreType.DMA,
            pltpu.SemaphoreType.DMA,
            pltpu.SemaphoreType.DMA,
            pltpu.SemaphoreType.DMA,
            pltpu.SemaphoreType.DMA,
            pltpu.SemaphoreType.DMA,
        ],
    )
    def sc_copy(x_hbm, o_hbm, buf0, buf1, buf2,
                rsem0, rsem1, rsem2, wsem0, wsem1, wsem2):
        wid = lax.axis_index("s") * nc + lax.axis_index("c")
        base = wid * rpw
        bufs = (buf0, buf1, buf2)
        rsems = (rsem0, rsem1, rsem2)
        wsems = (wsem0, wsem1, wsem2)

        def rd(j):
            return pltpu.async_copy(
                x_hbm.at[pl.ds(base + j * _CHUNK_ROWS, _CHUNK_ROWS), :],
                bufs[j % 3],
                rsems[j % 3],
            )

        def wr(j):
            return pltpu.async_copy(
                bufs[j % 3],
                o_hbm.at[pl.ds(base + j * _CHUNK_ROWS, _CHUNK_ROWS), :],
                wsems[j % 3],
            )

        reads = {0: rd(0)}
        writes = {}
        for j in range(n_chunks):
            reads.pop(j).wait()
            writes[j] = wr(j)
            if j + 1 < n_chunks:
                if j >= 2:
                    writes.pop(j - 2).wait()
                reads[j + 1] = rd(j + 1)
        for h in writes.values():
            h.wait()

    return sc_copy(x2).reshape(b, s, d)

# --- scband reference (transcript-rebuilt; emitter-appended) ---
"""Pipeline reference for scband-drop-token-dropout-9732395893241 (READ-ONLY COPY).

The authoritative reference and input builder live on the scoring server;
editing this copy changes nothing except your own understanding.
"""

import jax, jax.numpy as jnp
import numpy as np


def setup_inputs(seed: int = 0) -> dict:
    key = jax.random.key(seed)
    x = jax.random.normal(key, (4, 4096, 2048), dtype=jnp.float32)
    return {"x": x}


def reference(x):
    # DropTokenDropout with p=0.0: the bernoulli mask is never applied
    # (self.p > 0 is False), so forward is the identity function.
    # Even with p>0 in eval mode the module is identity; p=0.0 makes the
    # behavior deterministic in both train and eval modes.
    return x

if __name__ == "__main__":
    import jax
    _d = setup_inputs()
    print(jax.jit(kernel)(*tuple(_d.values())))

</pallas_src>

<mosaic_0001>
#map = affine_map<(d0, d1) -> (0, 0)>
module attributes {stable_mosaic.version = 14 : i64} {
  func.func @sc_copy(%arg0: i32, %arg1: i32, %arg2: memref<16384x2048xf32, #tpu.memory_space<hbm>>, %arg3: memref<16384x2048xf32, #tpu.memory_space<hbm>>, %arg4: memref<16x2048xf32, #tpu.memory_space<vmem>>, %arg5: memref<16x2048xf32, #tpu.memory_space<vmem>>, %arg6: memref<16x2048xf32, #tpu.memory_space<vmem>>, %arg7: memref<!tpu.dma_semaphore, #tpu.memory_space<semaphore_mem>>, %arg8: memref<!tpu.dma_semaphore, #tpu.memory_space<semaphore_mem>>, %arg9: memref<!tpu.dma_semaphore, #tpu.memory_space<semaphore_mem>>, %arg10: memref<!tpu.dma_semaphore, #tpu.memory_space<semaphore_mem>>, %arg11: memref<!tpu.dma_semaphore, #tpu.memory_space<semaphore_mem>>, %arg12: memref<!tpu.dma_semaphore, #tpu.memory_space<semaphore_mem>>) attributes {dimension_semantics = [#tpu.dimension_semantics<core_parallel>, #tpu.dimension_semantics<subcore_parallel>], iteration_bounds = array<i64: 2, 16>, scalar_prefetch = 0 : i64, scratch_operands = 9 : i64, tpu.core_type = #tpu.core_type<sc_vector_subcore>, window_params = [{transform_indices = #map}, {transform_indices = #map}]} {
    %mul3A = arith.constant 2 : i32
    %mul3A_0 = arith.muli %arg1, %mul3A : i32
    %add3A = arith.addi %mul3A_0, %arg0 : i32
    %mul3A_1 = arith.constant 512 : i32
    %mul3A_2 = arith.muli %add3A, %mul3A_1 : i32
    %add3A_3 = arith.constant 0 : i32
    %add3A_4 = arith.addi %mul3A_2, %add3A_3 : i32
    %dma_start3A = arith.constant 0 : i32
    %dma_start3A_5 = tpu.memref_slice %arg2[%add3A_4, %dma_start3A] : memref<16384x2048xf32, #tpu.memory_space<hbm>> -> memref<16x2048xf32, #tpu.memory_space<hbm>>
    %dma_start3A_6 = arith.constant 0 : i32
    %dma_start3A_7 = tpu.memref_slice %arg2[%add3A_4, %dma_start3A_6] : memref<16384x2048xf32, #tpu.memory_space<hbm>> -> memref<16x2048xf32, #tpu.memory_space<hbm>>
    tpu.enqueue_dma source(%dma_start3A_7 : memref<16x2048xf32, #tpu.memory_space<hbm>>) target(%arg4 : memref<16x2048xf32, #tpu.memory_space<vmem>>) target_semaphore(%arg7 : memref<!tpu.dma_semaphore, #tpu.memory_space<semaphore_mem>>)
    %dma_wait3A = arith.constant 0 : i32
    %dma_wait3A_8 = tpu.memref_slice %arg2[%add3A_4, %dma_wait3A] : memref<16384x2048xf32, #tpu.memory_space<hbm>> -> memref<16x2048xf32, #tpu.memory_space<hbm>>
    %dma_wait3A_9 = arith.constant 0 : i32
    %dma_wait3A_10 = tpu.memref_slice %arg2[%add3A_4, %dma_wait3A_9] : memref<16384x2048xf32, #tpu.memory_space<hbm>> -> memref<16x2048xf32, #tpu.memory_space<hbm>>
    tpu.wait_dma2 semaphore(%arg7 : memref<!tpu.dma_semaphore, #tpu.memory_space<semaphore_mem>>) src(%dma_wait3A_10 : memref<16x2048xf32, #tpu.memory_space<hbm>>) dst(%arg4 : memref<16x2048xf32, #tpu.memory_space<vmem>>)
    %add3A_11 = arith.constant 0 : i32
    %add3A_12 = arith.addi %mul3A_2, %add3A_11 : i32
    %dma_start3A_13 = arith.constant 0 : i32
    %dma_start3A_14 = tpu.memref_slice %arg3[%add3A_12, %dma_start3A_13] : memref<16384x2048xf32, #tpu.memory_space<hbm>> -> memref<16x2048xf32, #tpu.memory_space<hbm>>
    %dma_start3A_15 = arith.constant 0 : i32
    %dma_start3A_16 = tpu.memref_slice %arg3[%add3A_12, %dma_start3A_15] : memref<16384x2048xf32, #tpu.memory_space<hbm>> -> memref<16x2048xf32, #tpu.memory_space<hbm>>
    tpu.enqueue_dma source(%arg4 : memref<16x2048xf32, #tpu.memory_space<vmem>>) target(%dma_start3A_16 : memref<16x2048xf32, #tpu.memory_space<hbm>>) target_semaphore(%arg10 : memref<!tpu.dma_semaphore, #tpu.memory_space<semaphore_mem>>)
    %add3A_17 = arith.constant 16 : i32
    %add3A_18 = arith.addi %mul3A_2, %add3A_17 : i32
    %dma_start3A_19 = arith.constant 0 : i32
    %dma_start3A_20 = tpu.memref_slice %arg2[%add3A_18, %dma_start3A_19] : memref<16384x2048xf32, #tpu.memory_space<hbm>> -> memref<16x2048xf32, #tpu.memory_space<hbm>>
    %dma_start3A_21 = arith.constant 0 : i32
    %dma_start3A_22 = tpu.memref_slice %arg2[%add3A_18, %dma_start3A_21] : memref<16384x2048xf32, #tpu.memory_space<hbm>> -> memref<16x2048xf32, #tpu.memory_space<hbm>>
    tpu.enqueue_dma source(%dma_start3A_22 : memref<16x2048xf32, #tpu.memory_space<hbm>>) target(%arg5 : memref<16x2048xf32, #tpu.memory_space<vmem>>) target_semaphore(%arg8 : memref<!tpu.dma_semaphore, #tpu.memory_space<semaphore_mem>>)
    %dma_wait3A_23 = arith.constant 0 : i32
    %dma_wait3A_24 = tpu.memref_slice %arg2[%add3A_18, %dma_wait3A_23] : memref<16384x2048xf32, #tpu.memory_space<hbm>> -> memref<16x2048xf32, #tpu.memory_space<hbm>>
    %dma_wait3A_25 = arith.constant 0 : i32
    %dma_wait3A_26 = tpu.memref_slice %arg2[%add3A_18, %dma_wait3A_25] : memref<16384x2048xf32, #tpu.memory_space<hbm>> -> memref<16x2048xf32, #tpu.memory_space<hbm>>
    tpu.wait_dma2 semaphore(%arg8 : memref<!tpu.dma_semaphore, #tpu.memory_space<semaphore_mem>>) src(%dma_wait3A_26 : memref<16x2048xf32, #tpu.memory_space<hbm>>) dst(%arg5 : memref<16x2048xf32, #tpu.memory_space<vmem>>)
    %add3A_27 = arith.constant 16 : i32
    %add3A_28 = arith.addi %mul3A_2, %add3A_27 : i32
    %dma_start3A_29 = arith.constant 0 : i32
    %dma_start3A_30 = tpu.memref_slice %arg3[%add3A_28, %dma_start3A_29] : memref<16384x2048xf32, #tpu.memory_space<hbm>> -> memref<16x2048xf32, #tpu.memory_space<hbm>>
    %dma_start3A_31 = arith.constant 0 : i32
    %dma_start3A_32 = tpu.memref_slice %arg3[%add3A_28, %dma_start3A_31] : memref<16384x2048xf32, #tpu.memory_space<hbm>> -> memref<16x2048xf32, #tpu.memory_space<hbm>>
    tpu.enqueue_dma source(%arg5 : memref<16x2048xf32, #tpu.memory_space<vmem>>) target(%dma_start3A_32 : memref<16x2048xf32, #tpu.memory_space<hbm>>) target_semaphore(%arg11 : memref<!tpu.dma_semaphore, #tpu.memory_space<semaphore_mem>>)
    %add3A_33 = arith.constant 32 : i32
    %add3A_34 = arith.addi %mul3A_2, %add3A_33 : i32
    %dma_start3A_35 = arith.constant 0 : i32
    %dma_start3A_36 = tpu.memref_slice %arg2[%add3A_34, %dma_start3A_35] : memref<16384x2048xf32, #tpu.memory_space<hbm>> -> memref<16x2048xf32, #tpu.memory_space<hbm>>
    %dma_start3A_37 = arith.constant 0 : i32
    %dma_start3A_38 = tpu.memref_slice %arg2[%add3A_34, %dma_start3A_37] : memref<16384x2048xf32, #tpu.memory_space<hbm>> -> memref<16x2048xf32, #tpu.memory_space<hbm>>
    tpu.enqueue_dma source(%dma_start3A_38 : memref<16x2048xf32, #tpu.memory_space<hbm>>) target(%arg6 : memref<16x2048xf32, #tpu.memory_space<vmem>>) target_semaphore(%arg9 : memref<!tpu.dma_semaphore, #tpu.memory_space<semaphore_mem>>)
    %dma_wait3A_39 = arith.constant 0 : i32
    %dma_wait3A_40 = tpu.memref_slice %arg2[%add3A_34, %dma_wait3A_39] : memref<16384x2048xf32, #tpu.memory_space<hbm>> -> memref<16x2048xf32, #tpu.memory_space<hbm>>
    %dma_wait3A_41 = arith.constant 0 : i32
    %dma_wait3A_42 = tpu.memref_slice %arg2[%add3A_34, %dma_wait3A_41] : memref<16384x2048xf32, #tpu.memory_space<hbm>> -> memref<16x2048xf32, #tpu.memory_space<hbm>>
    tpu.wait_dma2 semaphore(%arg9 : memref<!tpu.dma_semaphore, #tpu.memory_space<semaphore_mem>>) src(%dma_wait3A_42 : memref<16x2048xf32, #tpu.memory_space<hbm>>) dst(%arg6 : memref<16x2048xf32, #tpu.memory_space<vmem>>)
    %add3A_43 = arith.constant 32 : i32
    %add3A_44 = arith.addi %mul3A_2, %add3A_43 : i32
    %dma_start3A_45 = arith.constant 0 : i32
    %dma_start3A_46 = tpu.memref_slice %arg3[%add3A_44, %dma_start3A_45] : memref<16384x2048xf32, #tpu.memory_space<hbm>> -> memref<16x2048xf32, #tpu.memory_space<hbm>>
    %dma_start3A_47 = arith.constant 0 : i32
    %dma_start3A_48 = tpu.memref_slice %arg3[%add3A_44, %dma_start3A_47] : memref<16384x2048xf32, #tpu.memory_space<hbm>> -> memref<16x2048xf32, #tpu.memory_space<hbm>>
    tpu.enqueue_dma source(%arg6 : memref<16x2048xf32, #tpu.memory_space<vmem>>) target(%dma_start3A_48 : memref<16x2048xf32, #tpu.memory_space<hbm>>) target_semaphore(%arg12 : memref<!tpu.dma_semaphore, #tpu.memory_space<semaphore_mem>>)
    %dma_wait3A_49 = arith.constant 0 : i32
    %dma_wait3A_50 = tpu.memref_slice %arg3[%add3A_12, %dma_wait3A_49] : memref<16384x2048xf32, #tpu.memory_space<hbm>> -> memref<16x2048xf32, #tpu.memory_space<hbm>>
    %dma_wait3A_51 = arith.constant 0 : i32
    %dma_wait3A_52 = tpu.memref_slice %arg3[%add3A_12, %dma_wait3A_51] : memref<16384x2048xf32, #tpu.memory_space<hbm>> -> memref<16x2048xf32, #tpu.memory_space<hbm>>
    tpu.wait_dma2 semaphore(%arg10 : memref<!tpu.dma_semaphore, #tpu.memory_space<semaphore_mem>>) src(%arg4 : memref<16x2048xf32, #tpu.memory_space<vmem>>) dst(%dma_wait3A_52 : memref<16x2048xf32, #tpu.memory_space<hbm>>)
    %add3A_53 = arith.constant 48 : i32
    %add3A_54 = arith.addi %mul3A_2, %add3A_53 : i32
    %dma_start3A_55 = arith.constant 0 : i32
    %dma_start3A_56 = tpu.memref_slice %arg2[%add3A_54, %dma_start3A_55] : memref<16384x2048xf32, #tpu.memory_space<hbm>> -> memref<16x2048xf32, #tpu.memory_space<hbm>>
    %dma_start3A_57 = arith.constant 0 : i32
    %dma_start3A_58 = tpu.memref_slice %arg2[%add3A_54, %dma_start3A_57] : memref<16384x2048xf32, #tpu.memory_space<hbm>> -> memref<16x2048xf32, #tpu.memory_space<hbm>>
    tpu.enqueue_dma source(%dma_start3A_58 : memref<16x2048xf32, #tpu.memory_space<hbm>>) target(%arg4 : memref<16x2048xf32, #tpu.memory_space<vmem>>) target_semaphore(%arg7 : memref<!tpu.dma_semaphore, #tpu.memory_space<semaphore_mem>>)
    %dma_wait3A_59 = arith.constant 0 : i32
    %dma_wait3A_60 = tpu.memref_slice %arg2[%add3A_54, %dma_wait3A_59] : memref<16384x2048xf32, #tpu.memory_space<hbm>> -> memref<16x2048xf32, #tpu.memory_space<hbm>>
    %dma_wait3A_61 = arith.constant 0 : i32
    %dma_wait3A_62 = tpu.memref_slice %arg2[%add3A_54, %dma_wait3A_61] : memref<16384x2048xf32, #tpu.memory_space<hbm>> -> memref<16x2048xf32, #tpu.memory_space<hbm>>
    tpu.wait_dma2 semaphore(%arg7 : memref<!tpu.dma_semaphore, #tpu.memory_space<semaphore_mem>>) src(%dma_wait3A_62 : memref<16x2048xf32, #tpu.memory_space<hbm>>) dst(%arg4 : memref<16x2048xf32, #tpu.memory_space<vmem>>)
    %add3A_63 = arith.constant 48 : i32
    %add3A_64 = arith.addi %mul3A_2, %add3A_63 : i32
    %dma_start3A_65 = arith.constant 0 : i32
    %dma_start3A_66 = tpu.memref_slice %arg3[%add3A_64, %dma_start3A_65] : memref<16384x2048xf32, #tpu.memory_space<hbm>> -> memref<16x2048xf32, #tpu.memory_space<hbm>>
    %dma_start3A_67 = arith.constant 0 : i32
    %dma_start3A_68 = tpu.memref_slice %arg3[%add3A_64, %dma_start3A_67] : memref<16384x2048xf32, #tpu.memory_space<hbm>> -> memref<16x2048xf32, #tpu.memory_space<hbm>>
    tpu.enqueue_dma source(%arg4 : memref<16x2048xf32, #tpu.memory_space<vmem>>) target(%dma_start3A_68 : memref<16x2048xf32, #tpu.memory_space<hbm>>) target_semaphore(%arg10 : memref<!tpu.dma_semaphore, #tpu.memory_space<semaphore_mem>>)
    %dma_wait3A_69 = arith.constant 0 : i32
    %dma_wait3A_70 = tpu.memref_slice %arg3[%add3A_28, %dma_wait3A_69] : memref<16384x2048xf32, #tpu.memory_space<hbm>> -> memref<16x2048xf32, #tpu.memory_space<hbm>>
    %dma_wait3A_71 = arith.constant 0 : i32
    %dma_wait3A_72 = tpu.memref_slice %arg3[%add3A_28, %dma_wait3A_71] : memref<16384x2048xf32, #tpu.memory_space<hbm>> -> memref<16x2048xf32, #tpu.memory_space<hbm>>
    tpu.wait_dma2 semaphore(%arg11 : memref<!tpu.dma_semaphore, #tpu.memory_space<semaphore_mem>>) src(%arg5 : memref<16x2048xf32, #tpu.memory_space<vmem>>) dst(%dma_wait3A_72 : memref<16x2048xf32, #tpu.memory_space<hbm>>)
    %add3A_73 = arith.constant 64 : i32
    %add3A_74 = arith.addi %mul3A_2, %add3A_73 : i32
    %dma_start3A_75 = arith.constant 0 : i32
    %dma_start3A_76 = tpu.memref_slice %arg2[%add3A_74, %dma_start3A_75] : memref<16384x2048xf32, #tpu.memory_space<hbm>> -> memref<16x2048xf32, #tpu.memory_space<hbm>>
    %dma_start3A_77 = arith.constant 0 : i32
    %dma_start3A_78 = tpu.memref_slice %arg2[%add3A_74, %dma_start3A_77] : memref<16384x2048xf32, #tpu.memory_space<hbm>> -> memref<16x2048xf32, #tpu.memory_space<hbm>>
    tpu.enqueue_dma source(%dma_start3A_78 : memref<16x2048xf32, #tpu.memory_space<hbm>>) target(%arg5 : memref<16x2048xf32, #tpu.memory_space<vmem>>) target_semaphore(%arg8 : memref<!tpu.dma_semaphore, #tpu.memory_space<semaphore_mem>>)
    %dma_wait3A_79 = arith.constant 0 : i32
    %dma_wait3A_80 = tpu.memref_slice %arg2[%add3A_74, %dma_wait3A_79] : memref<16384x2048xf32, #tpu.memory_space<hbm>> -> memref<16x2048xf32, #tpu.memory_space<hbm>>
    %dma_wait3A_81 = arith.constant 0 : i32
    %dma_wait3A_82 = tpu.memref_slice %arg2[%add3A_74, %dma_wait3A_81] : memref<16384x2048xf32, #tpu.memory_space<hbm>> -> memref<16x2048xf32, #tpu.memory_space<hbm>>
    tpu.wait_dma2 semaphore(%arg8 : memref<!tpu.dma_semaphore, #tpu.memory_space<semaphore_mem>>) src(%dma_wait3A_82 : memref<16x2048xf32, #tpu.memory_space<hbm>>) dst(%arg5 : memref<16x2048xf32, #tpu.memory_space<vmem>>)
    %add3A_83 = arith.constant 64 : i32
    %add3A_84 = arith.addi %mul3A_2, %add3A_83 : i32
    %dma_start3A_85 = arith.constant 0 : i32
    %dma_start3A_86 = tpu.memref_slice %arg3[%add3A_84, %dma_start3A_85] : memref<16384x2048xf32, #tpu.memory_space<hbm>> -> memref<16x2048xf32, #tpu.memory_space<hbm>>
    %dma_start3A_87 = arith.constant 0 : i32
    %dma_start3A_88 = tpu.memref_slice %arg3[%add3A_84, %dma_start3A_87] : memref<16384x2048xf32, #tpu.memory_space<hbm>> -> memref<16x2048xf32, #tpu.memory_space<hbm>>
    tpu.enqueue_dma source(%arg5 : memref<16x2048xf32, #tpu.memory_space<vmem>>) target(%dma_start3A_88 : memref<16x2048xf32, #tpu.memory_space<hbm>>) target_semaphore(%arg11 : memref<!tpu.dma_semaphore, #tpu.memory_space<semaphore_mem>>)
    %dma_wait3A_89 = arith.constant 0 : i32
    %dma_wait3A_90 = tpu.memref_slice %arg3[%add3A_44, %dma_wait3A_89] : memref<16384x2048xf32, #tpu.memory_space<hbm>> -> memref<16x2048xf32, #tpu.memory_space<hbm>>
    %dma_wait3A_91 = arith.constant 0 : i32
    %dma_wait3A_92 = tpu.memref_slice %arg3[%add3A_44, %dma_wait3A_91] : memref<16384x2048xf32, #tpu.memory_space<hbm>> -> memref<16x2048xf32, #tpu.memory_space<hbm>>
    tpu.wait_dma2 semaphore(%arg12 : memref<!tpu.dma_semaphore, #tpu.memory_space<semaphore_mem>>) src(%arg6 : memref<16x2048xf32, #tpu.memory_space<vmem>>) dst(%dma_wait3A_92 : memref<16x2048xf32, #tpu.memory_space<hbm>>)
    %add3A_93 = arith.constant 80 : i32
    %add3A_94 = arith.addi %mul3A_2, %add3A_93 : i32
    %dma_start3A_95 = arith.constant 0 : i32
    %dma_start3A_96 = tpu.memref_slice %arg2[%add3A_94, %dma_start3A_95] : memref<16384x2048xf32, #tpu.memory_space<hbm>> -> memref<16x2048xf32, #tpu.memory_space<hbm>>
    %dma_start3A_97 = arith.constant 0 : i32
    %dma_start3A_98 = tpu.memref_slice %arg2[%add3A_94, %dma_start3A_97] : memref<16384x2048xf32, #tpu.memory_space<hbm>> -> memref<16x2048xf32, #tpu.memory_space<hbm>>
    tpu.enqueue_dma source(%dma_start3A_98 : memref<16x2048xf32, #tpu.memory_space<hbm>>) target(%arg6 : memref<16x2048xf32, #tpu.memory_space<vmem>>) target_semaphore(%arg9 : memref<!tpu.dma_semaphore, #tpu.memory_space<semaphore_mem>>)
    %dma_wait3A_99 = arith.constant 0 : i32
    %dma_wait3A_100 = tpu.memref_slice %arg2[%add3A_94, %dma_wait3A_99] : memref<16384x2048xf32, #tpu.memory_space<hbm>> -> memref<16x2048xf32, #tpu.memory_space<hbm>>
    %dma_wait3A_101 = arith.constant 0 : i32
    %dma_wait3A_102 = tpu.memref_slice %arg2[%add3A_94, %dma_wait3A_101] : memref<16384x2048xf32, #tpu.memory_space<hbm>> -> memref<16x2048xf32, #tpu.memory_space<hbm>>
    tpu.wait_dma2 semaphore(%arg9 : memref<!tpu.dma_semaphore, #tpu.memory_space<semaphore_mem>>) src(%dma_wait3A_102 : memref<16x2048xf32, #tpu.memory_space<hbm>>) dst(%arg6 : memref<16x2048xf32, #tpu.memory_space<vmem>>)
    %add3A_103 = arith.constant 80 : i32
    %add3A_104 = arith.addi %mul3A_2, %add3A_103 : i32
    %dma_start3A_105 = arith.constant 0 : i32
    %dma_start3A_106 = tpu.memref_slice %arg3[%add3A_104, %dma_start3A_105] : memref<16384x2048xf32, #tpu.memory_space<hbm>> -> memref<16x2048xf32, #tpu.memory_space<hbm>>
    %dma_start3A_107 = arith.constant 0 : i32
    %dma_start3A_108 = tpu.memref_slice %arg3[%add3A_104, %dma_start3A_107] : memref<16384x2048xf32, #tpu.memory_space<hbm>> -> memref<16x2048xf32, #tpu.memory_space<hbm>>
    tpu.enqueue_dma source(%arg6 : memref<16x2048xf32, #tpu.memory_space<vmem>>) target(%dma_start3A_108 : memref<16x2048xf32, #tpu.memory_space<hbm>>) target_semaphore(%arg12 : memref<!tpu.dma_semaphore, #tpu.memory_space<semaphore_mem>>)
    %dma_wait3A_109 = arith.constant 0 : i32
    %dma_wait3A_110 = tpu.memref_slice %arg3[%add3A_64, %dma_wait3A_109] : memref<16384x2048xf32, #tpu.memory_space<hbm>> -> memref<16x2048xf32, #tpu.memory_space<hbm>>
    %dma_wait3A_111 = arith.constant 0 : i32
    %dma_wait3A_112 = tpu.memref_slice %arg3[%add3A_64, %dma_wait3A_111] : memref<16384x2048xf32, #tpu.memory_space<hbm>> -> memref<16x2048xf32, #tpu.memory_space<hbm>>
    tpu.wait_dma2 semaphore(%arg10 : memref<!tpu.dma_semaphore, #tpu.memory_space<semaphore_mem>>) src(%arg4 : memref<16x2048xf32, #tpu.memory_space<vmem>>) dst(%dma_wait3A_112 : memref<16x2048xf32, #tpu.memory_space<hbm>>)
    %add3A_113 = arith.constant 96 : i32
    %add3A_114 = arith.addi %mul3A_2, %add3A_113 : i32
    %dma_start3A_115 = arith.constant 0 : i32
    %dma_start3A_116 = tpu.memref_slice %arg2[%add3A_114, %dma_start3A_115] : memref<16384x2048xf32, #tpu.memory_space<hbm>> -> memref<16x2048xf32, #tpu.memory_space<hbm>>
    %dma_start3A_117 = arith.constant 0 : i32
    %dma_start3A_118 = tpu.memref_slice %arg2[%add3A_114, %dma_start3A_117] : memref<16384x2048xf32, #tpu.memory_space<hbm>> -> memref<16x2048xf32, #tpu.memory_space<hbm>>
    tpu.enqueue_dma source(%dma_start3A_118 : memref<16x2048xf32, #tpu.memory_space<hbm>>) target(%arg4 : memref<16x2048xf32, #tpu.memory_space<vmem>>) target_semaphore(%arg7 : memref<!tpu.dma_semaphore, #tpu.memory_space<semaphore_mem>>)
    %dma_wait3A_119 = arith.constant 0 : i32
    %dma_wait3A_120 = tpu.memref_slice %arg2[%add3A_114, %dma_wait3A_119] : memref<16384x2048xf32, #tpu.memory_space<hbm>> -> memref<16x2048xf32, #tpu.memory_space<hbm>>
    %dma_wait3A_121 = arith.constant 0 : i32
    %dma_wait3A_122 = tpu.memref_slice %arg2[%add3A_114, %dma_wait3A_121] : memref<16384x2048xf32, #tpu.memory_space<hbm>> -> memref<16x2048xf32, #tpu.memory_space<hbm>>
    tpu.wait_dma2 semaphore(%arg7 : memref<!tpu.dma_semaphore, #tpu.memory_space<semaphore_mem>>) src(%dma_wait3A_122 : memref<16x2048xf32, #tpu.memory_space<hbm>>) dst(%arg4 : memref<16x2048xf32, #tpu.memory_space<vmem>>)
    %add3A_123 = arith.constant 96 : i32
    %add3A_124 = arith.addi %mul3A_2, %add3A_123 : i32
    %dma_start3A_125 = arith.constant 0 : i32
    %dma_start3A_126 = tpu.memref_slice %arg3[%add3A_124, %dma_start3A_125] : memref<16384x2048xf32, #tpu.memory_space<hbm>> -> memref<16x2048xf32, #tpu.memory_space<hbm>>
    %dma_start3A_127 = arith.constant 0 : i32
    %dma_start3A_128 = tpu.memref_slice %arg3[%add3A_124, %dma_start3A_127] : memref<16384x2048xf32, #tpu.memory_space<hbm>> -> memref<16x2048xf32, #tpu.memory_space<hbm>>
    tpu.enqueue_dma source(%arg4 : memref<16x2048xf32, #tpu.memory_space<vmem>>) target(%dma_start3A_128 : memref<16x2048xf32, #tpu.memory_space<hbm>>) target_semaphore(%arg10 : memref<!tpu.dma_semaphore, #tpu.memory_space<semaphore_mem>>)
    %dma_wait3A_129 = arith.constant 0 : i32
    %dma_wait3A_130 = tpu.memref_slice %arg3[%add3A_84, %dma_wait3A_129] : memref<16384x2048xf32, #tpu.memory_space<hbm>> -> memref<16x2048xf32, #tpu.memory_space<hbm>>
    %dma_wait3A_131 = arith.constant 0 : i32
    %dma_wait3A_132 = tpu.memref_slice %arg3[%add3A_84, %dma_wait3A_131] : memref<16384x2048xf32, #tpu.memory_space<hbm>> -> memref<16x2048xf32, #tpu.memory_space<hbm>>
    tpu.wait_dma2 semaphore(%arg11 : memref<!tpu.dma_semaphore, #tpu.memory_space<semaphore_mem>>) src(%arg5 : memref<16x2048xf32, #tpu.memory_space<vmem>>) dst(%dma_wait3A_132 : memref<16x2048xf32, #tpu.memory_space<hbm>>)
    %add3A_133 = arith.constant 112 : i32
    %add3A_134 = arith.addi %mul3A_2, %add3A_133 : i32
    %dma_start3A_135 = arith.constant 0 : i32
    %dma_start3A_136 = tpu.memref_slice %arg2[%add3A_134, %dma_start3A_135] : memref<16384x2048xf32, #tpu.memory_space<hbm>> -> memref<16x2048xf32, #tpu.memory_space<hbm>>
    %dma_start3A_137 = arith.constant 0 : i32
    %dma_start3A_138 = tpu.memref_slice %arg2[%add3A_134, %dma_start3A_137] : memref<16384x2048xf32, #tpu.memory_space<hbm>> -> memref<16x2048xf32, #tpu.memory_space<hbm>>
    tpu.enqueue_dma source(%dma_start3A_138 : memref<16x2048xf32, #tpu.memory_space<hbm>>) target(%arg5 : memref<16x2048xf32, #tpu.memory_space<vmem>>) target_semaphore(%arg8 : memref<!tpu.dma_semaphore, #tpu.memory_space<semaphore_mem>>)
    %dma_wait3A_139 = arith.constant 0 : i32
    %dma_wait3A_140 = tpu.memref_slice %arg2[%add3A_134, %dma_wait3A_139] : memref<16384x2048xf32, #tpu.memory_space<hbm>> -> memref<16x2048xf32, #tpu.memory_space<hbm>>
    %dma_wait3A_141 = arith.constant 0 : i32
    %dma_wait3A_142 = tpu.memref_slice %arg2[%add3A_134, %dma_wait3A_141] : memref<16384x2048xf32, #tpu.memory_space<hbm>> -> memref<16x2048xf32, #tpu.memory_space<hbm>>
    tpu.wait_dma2 semaphore(%arg8 : memref<!tpu.dma_semaphore, #tpu.memory_space<semaphore_mem>>) src(%dma_wait3A_142 : memref<16x2048xf32, #tpu.memory_space<hbm>>) dst(%arg5 : memref<16x2048xf32, #tpu.memory_space<vmem>>)
    %add3A_143 = arith.constant 112 : i32
    %add3A_144 = arith.addi %mul3A_2, %add3A_143 : i32
    %dma_start3A_145 = arith.constant 0 : i32
    %dma_start3A_146 = tpu.memref_slice %arg3[%add3A_144, %dma_start3A_145] : memref<16384x2048xf32, #tpu.memory_space<hbm>> -> memref<16x2048xf32, #tpu.memory_space<hbm>>
    %dma_start3A_147 = arith.constant 0 : i32
    %dma_start3A_148 = tpu.memref_slice %arg3[%add3A_144, %dma_start3A_147] : memref<16384x2048xf32, #tpu.memory_space<hbm>> -> memref<16x2048xf32, #tpu.memory_space<hbm>>
    tpu.enqueue_dma source(%arg5 : memref<16x2048xf32, #tpu.memory_space<vmem>>) target(%dma_start3A_148 : memref<16x2048xf32, #tpu.memory_space<hbm>>) target_semaphore(%arg11 : memref<!tpu.dma_semaphore, #tpu.memory_space<semaphore_mem>>)
    %dma_wait3A_149 = arith.constant 0 : i32
    %dma_wait3A_150 = tpu.memref_slice %arg3[%add3A_104, %dma_wait3A_149] : memref<16384x2048xf32, #tpu.memory_space<hbm>> -> memref<16x2048xf32, #tpu.memory_space<hbm>>
    %dma_wait3A_151 = arith.constant 0 : i32
    %dma_wait3A_152 = tpu.memref_slice %arg3[%add3A_104, %dma_wait3A_151] : memref<16384x2048xf32, #tpu.memory_space<hbm>> -> memref<16x2048xf32, #tpu.memory_space<hbm>>
    tpu.wait_dma2 semaphore(%arg12 : memref<!tpu.dma_semaphore, #tpu.memory_space<semaphore_mem>>) src(%arg6 : memref<16x2048xf32, #tpu.memory_space<vmem>>) dst(%dma_wait3A_152 : memref<16x2048xf32, #tpu.memory_space<hbm>>)
    %add3A_153 = arith.constant 128 : i32
    %add3A_154 = arith.addi %mul3A_2, %add3A_153 : i32
    %dma_start3A_155 = arith.constant 0 : i32
    %dma_start3A_156 = tpu.memref_slice %arg2[%add3A_154, %dma_start3A_155] : memref<16384x2048xf32, #tpu.memory_space<hbm>> -> memref<16x2048xf32, #tpu.memory_space<hbm>>
    %dma_start3A_157 = arith.constant 0 : i32
    %dma_start3A_158 = tpu.memref_slice %arg2[%add3A_154, %dma_start3A_157] : memref<16384x2048xf32, #tpu.memory_space<hbm>> -> memref<16x2048xf32, #tpu.memory_space<hbm>>
    tpu.enqueue_dma source(%dma_start3A_158 : memref<16x2048xf32, #tpu.memory_space<hbm>>) target(%arg6 : memref<16x2048xf32, #tpu.memory_space<vmem>>) target_semaphore(%arg9 : memref<!tpu.dma_semaphore, #tpu.memory_space<semaphore_mem>>)
    %dma_wait3A_159 = arith.constant 0 : i32
    %dma_wait3A_160 = tpu.memref_slice %arg2[%add3A_154, %dma_wait3A_159] : memref<16384x2048xf32, #tpu.memory_space<hbm>> -> memref<16x2048xf32, #tpu.memory_space<hbm>>
    %dma_wait3A_161 = arith.constant 0 : i32
    %dma_wait3A_162 = tpu.memref_slice %arg2[%add3A_154, %dma_wait3A_161] : memref<16384x2048xf32, #tpu.memory_space<hbm>> -> memref<16x2048xf32, #tpu.memory_space<hbm>>
    tpu.wait_dma2 semaphore(%arg9 : memref<!tpu.dma_semaphore, #tpu.memory_space<semaphore_mem>>) src(%dma_wait3A_162 : memref<16x2048xf32, #tpu.memory_space<hbm>>) dst(%arg6 : memref<16x2048xf32, #tpu.memory_space<vmem>>)
    %add3A_163 = arith.constant 128 : i32
    %add3A_164 = arith.addi %mul3A_2, %add3A_163 : i32
    %dma_start3A_165 = arith.constant 0 : i32
    %dma_start3A_166 = tpu.memref_slice %arg3[%add3A_164, %dma_start3A_165] : memref<16384x2048xf32, #tpu.memory_space<hbm>> -> memref<16x2048xf32, #tpu.memory_space<hbm>>
    %dma_start3A_167 = arith.constant 0 : i32
    %dma_start3A_168 = tpu.memref_slice %arg3[%add3A_164, %dma_start3A_167] : memref<16384x2048xf32, #tpu.memory_space<hbm>> -> memref<16x2048xf32, #tpu.memory_space<hbm>>
    tpu.enqueue_dma source(%arg6 : memref<16x2048xf32, #tpu.memory_space<vmem>>) target(%dma_start3A_168 : memref<16x2048xf32, #tpu.memory_space<hbm>>) target_semaphore(%arg12 : memref<!tpu.dma_semaphore, #tpu.memory_space<semaphore_mem>>)
    %dma_wait3A_169 = arith.constant 0 : i32
    %dma_wait3A_170 = tpu.memref_slice %arg3[%add3A_124, %dma_wait3A_169] : memref<16384x2048xf32, #tpu.memory_space<hbm>> -> memref<16x2048xf32, #tpu.memory_space<hbm>>
    %dma_wait3A_171 = arith.constant 0 : i32
    %dma_wait3A_172 = tpu.memref_slice %arg3[%add3A_124, %dma_wait3A_171] : memref<16384x2048xf32, #tpu.memory_space<hbm>> -> memref<16x2048xf32, #tpu.memory_space<hbm>>
    tpu.wait_dma2 semaphore(%arg10 : memref<!tpu.dma_semaphore, #tpu.memory_space<semaphore_mem>>) src(%arg4 : memref<16x2048xf32, #tpu.memory_space<vmem>>) dst(%dma_wait3A_172 : memref<16x2048xf32, #tpu.memory_space<hbm>>)
    %add3A_173 = arith.constant 144 : i32
    %add3A_174 = arith.addi %mul3A_2, %add3A_173 : i32
    %dma_start3A_175 = arith.constant 0 : i32
    %dma_start3A_176 = tpu.memref_slice %arg2[%add3A_174, %dma_start3A_175] : memref<16384x2048xf32, #tpu.memory_space<hbm>> -> memref<16x2048xf32, #tpu.memory_space<hbm>>
    %dma_start3A_177 = arith.constant 0 : i32
    %dma_start3A_178 = tpu.memref_slice %arg2[%add3A_174, %dma_start3A_177] : memref<16384x2048xf32, #tpu.memory_space<hbm>> -> memref<16x2048xf32, #tpu.memory_space<hbm>>
    tpu.enqueue_dma source(%dma_start3A_178 : memref<16x2048xf32, #tpu.memory_space<hbm>>) target(%arg4 : memref<16x2048xf32, #tpu.memory_space<vmem>>) target_semaphore(%arg7 : memref<!tpu.dma_semaphore, #tpu.memory_space<semaphore_mem>>)
    %dma_wait3A_179 = arith.constant 0 : i32
    %dma_wait3A_180 = tpu.memref_slice %arg2[%add3A_174, %dma_wait3A_179] : memref<16384x2048xf32, #tpu.memory_space<hbm>> -> memref<16x2048xf32, #tpu.memory_space<hbm>>
    %dma_wait3A_181 = arith.constant 0 : i32
    %dma_wait3A_182 = tpu.memref_slice %arg2[%add3A_174, %dma_wait3A_181] : memref<16384x2048xf32, #tpu.memory_space<hbm>> -> memref<16x2048xf32, #tpu.memory_space<hbm>>
    tpu.wait_dma2 semaphore(%arg7 : memref<!tpu.dma_semaphore, #tpu.memory_space<semaphore_mem>>) src(%dma_wait3A_182 : memref<16x2048xf32, #tpu.memory_space<hbm>>) dst(%arg4 : memref<16x2048xf32, #tpu.memory_space<vmem>>)
    %add3A_183 = arith.constant 144 : i32
    %add3A_184 = arith.addi %mul3A_2, %add3A_183 : i32
    %dma_start3A_185 = arith.constant 0 : i32
    %dma_start3A_186 = tpu.memref_slice %arg3[%add3A_184, %dma_start3A_185] : memref<16384x2048xf32, #tpu.memory_space<hbm>> -> memref<16x2048xf32, #tpu.memory_space<hbm>>
    %dma_start3A_187 = arith.constant 0 : i32
    %dma_start3A_188 = tpu.memref_slice %arg3[%add3A_184, %dma_start3A_187] : memref<16384x2048xf32, #tpu.memory_space<hbm>> -> memref<16x2048xf32, #tpu.memory_space<hbm>>
    tpu.enqueue_dma source(%arg4 : memref<16x2048xf32, #tpu.memory_space<vmem>>) target(%dma_start3A_188 : memref<16x2048xf32, #tpu.memory_space<hbm>>) target_semaphore(%arg10 : memref<!tpu.dma_semaphore, #tpu.memory_space<semaphore_mem>>)
    %dma_wait3A_189 = arith.constant 0 : i32
    %dma_wait3A_190 = tpu.memref_slice %arg3[%add3A_144, %dma_wait3A_189] : memref<16384x2048xf32, #tpu.memory_space<hbm>> -> memref<16x2048xf32, #tpu.memory_space<hbm>>
    %dma_wait3A_191 = arith.constant 0 : i32
    %dma_wait3A_192 = tpu.memref_slice %arg3[%add3A_144, %dma_wait3A_191] : memref<16384x2048xf32, #tpu.memory_space<hbm>> -> memref<16x2048xf32, #tpu.memory_space<hbm>>
    tpu.wait_dma2 semaphore(%arg11 : memref<!tpu.dma_semaphore, #tpu.memory_space<semaphore_mem>>) src(%arg5 : memref<16x2048xf32, #tpu.memory_space<vmem>>) dst(%dma_wait3A_192 : memref<16x2048xf32, #tpu.memory_space<hbm>>)
    %add3A_193 = arith.constant 160 : i32
    %add3A_194 = arith.addi %mul3A_2, %add3A_193 : i32
    %dma_start3A_195 = arith.constant 0 : i32
    %dma_start3A_196 = tpu.memref_slice %arg2[%add3A_194, %dma_start3A_195] : memref<16384x2048xf32, #tpu.memory_space<hbm>> -> memref<16x2048xf32, #tpu.memory_space<hbm>>
    %dma_start3A_197 = arith.constant 0 : i32
    %dma_start3A_198 = tpu.memref_slice %arg2[%add3A_194, %dma_start3A_197] : memref<16384x2048xf32, #tpu.memory_space<hbm>> -> memref<16x2048xf32, #tpu.memory_space<hbm>>
    tpu.enqueue_dma source(%dma_start3A_198 : memref<16x2048xf32, #tpu.memory_space<hbm>>) target(%arg5 : memref<16x2048xf32, #tpu.memory_space<vmem>>) target_semaphore(%arg8 : memref<!tpu.dma_semaphore, #tpu.memory_space<semaphore_mem>>)
    %dma_wait3A_199 = arith.constant 0 : i32
    %dma_wait3A_200 = tpu.memref_slice %arg2[%add3A_194, %dma_wait3A_199] : memref<16384x2048xf32, #tpu.memory_space<hbm>> -> memref<16x2048xf32, #tpu.memory_space<hbm>>
    %dma_wait3A_201 = arith.constant 0 : i32
    %dma_wait3A_202 = tpu.memref_slice %arg2[%add3A_194, %dma_wait3A_201] : memref<16384x2048xf32, #tpu.memory_space<hbm>> -> memref<16x2048xf32, #tpu.memory_space<hbm>>
    tpu.wait_dma2 semaphore(%arg8 : memref<!tpu.dma_semaphore, #tpu.memory_space<semaphore_mem>>) src(%dma_wait3A_202 : memref<16x2048xf32, #tpu.memory_space<hbm>>) dst(%arg5 : memref<16x2048xf32, #tpu.memory_space<vmem>>)
    %add3A_203 = arith.constant 160 : i32
    %add3A_204 = arith.addi %mul3A_2, %add3A_203 : i32
    %dma_start3A_205 = arith.constant 0 : i32
    %dma_start3A_206 = tpu.memref_slice %arg3[%add3A_204, %dma_start3A_205] : memref<16384x2048xf32, #tpu.memory_space<hbm>> -> memref<16x2048xf32, #tpu.memory_space<hbm>>
    %dma_start3A_207 = arith.constant 0 : i32
    %dma_start3A_208 = tpu.memref_slice %arg3[%add3A_204, %dma_start3A_207] : memref<16384x2048xf32, #tpu.memory_space<hbm>> -> memref<16x2048xf32, #tpu.memory_space<hbm>>
    tpu.enqueue_dma source(%arg5 : memref<16x2048xf32, #tpu.memory_space<vmem>>) target(%dma_start3A_208 : memref<16x2048xf32, #tpu.memory_space<hbm>>) target_semaphore(%arg11 : memref<!tpu.dma_semaphore, #tpu.memory_space<semaphore_mem>>)
    %dma_wait3A_209 = arith.constant 0 : i32
    %dma_wait3A_210 = tpu.memref_slice %arg3[%add3A_164, %dma_wait3A_209] : memref<16384x2048xf32, #tpu.memory_space<hbm>> -> memref<16x2048xf32, #tpu.memory_space<hbm>>
    %dma_wait3A_211 = arith.constant 0 : i32
    %dma_wait3A_212 = tpu.memref_slice %arg3[%add3A_164, %dma_wait3A_211] : memref<16384x2048xf32, #tpu.memory_space<hbm>> -> memref<16x2048xf32, #tpu.memory_space<hbm>>
    tpu.wait_dma2 semaphore(%arg12 : memref<!tpu.dma_semaphore, #tpu.memory_space<semaphore_mem>>) src(%arg6 : memref<16x2048xf32, #tpu.memory_space<vmem>>) dst(%dma_wait3A_212 : memref<16x2048xf32, #tpu.memory_space<hbm>>)
    %add3A_213 = arith.constant 176 : i32
    %add3A_214 = arith.addi %mul3A_2, %add3A_213 : i32
    %dma_start3A_215 = arith.constant 0 : i32
    %dma_start3A_216 = tpu.memref_slice %arg2[%add3A_214, %dma_start3A_215] : memref<16384x2048xf32, #tpu.memory_space<hbm>> -> memref<16x2048xf32, #tpu.memory_space<hbm>>
    %dma_start3A_217 = arith.constant 0 : i32
    %dma_start3A_218 = tpu.memref_slice %arg2[%add3A_214, %dma_start3A_217] : memref<16384x2048xf32, #tpu.memory_space<hbm>> -> memref<16x2048xf32, #tpu.memory_space<hbm>>
    tpu.enqueue_dma source(%dma_start3A_218 : memref<16x2048xf32, #tpu.memory_space<hbm>>) target(%arg6 : memref<16x2048xf32, #tpu.memory_space<vmem>>) target_semaphore(%arg9 : memref<!tpu.dma_semaphore, #tpu.memory_space<semaphore_mem>>)
    %dma_wait3A_219 = arith.constant 0 : i32
    %dma_wait3A_220 = tpu.memref_slice %arg2[%add3A_214, %dma_wait3A_219] : memref<16384x2048xf32, #tpu.memory_space<hbm>> -> memref<16x2048xf32, #tpu.memory_space<hbm>>
    %dma_wait3A_221 = arith.constant 0 : i32
    %dma_wait3A_222 = tpu.memref_slice %arg2[%add3A_214, %dma_wait3A_221] : memref<16384x2048xf32, #tpu.memory_space<hbm>> -> memref<16x2048xf32, #tpu.memory_space<hbm>>
    tpu.wait_dma2 semaphore(%arg9 : memref<!tpu.dma_semaphore, #tpu.memory_space<semaphore_mem>>) src(%dma_wait3A_222 : memref<16x2048xf32, #tpu.memory_space<hbm>>) dst(%arg6 : memref<16x2048xf32, #tpu.memory_space<vmem>>)
    %add3A_223 = arith.constant 176 : i32
    %add3A_224 = arith.addi %mul3A_2, %add3A_223 : i32
    %dma_start3A_225 = arith.constant 0 : i32
    %dma_start3A_226 = tpu.memref_slice %arg3[%add3A_224, %dma_start3A_225] : memref<16384x2048xf32, #tpu.memory_space<hbm>> -> memref<16x2048xf32, #tpu.memory_space<hbm>>
    %dma_start3A_227 = arith.constant 0 : i32
    %dma_start3A_228 = tpu.memref_slice %arg3[%add3A_224, %dma_start3A_227] : memref<16384x2048xf32, #tpu.memory_space<hbm>> -> memref<16x2048xf32, #tpu.memory_space<hbm>>
    tpu.enqueue_dma source(%arg6 : memref<16x2048xf32, #tpu.memory_space<vmem>>) target(%dma_start3A_228 : memref<16x2048xf32, #tpu.memory_space<hbm>>) target_semaphore(%arg12 : memref<!tpu.dma_semaphore, #tpu.memory_space<semaphore_mem>>)
    %dma_wait3A_229 = arith.constant 0 : i32
    %dma_wait3A_230 = tpu.memref_slice %arg3[%add3A_184, %dma_wait3A_229] : memref<16384x2048xf32, #tpu.memory_space<hbm>> -> memref<16x2048xf32, #tpu.memory_space<hbm>>
    %dma_wait3A_231 = arith.constant 0 : i32
    %dma_wait3A_232 = tpu.memref_slice %arg3[%add3A_184, %dma_wait3A_231] : memref<16384x2048xf32, #tpu.memory_space<hbm>> -> memref<16x2048xf32, #tpu.memory_space<hbm>>
    tpu.wait_dma2 semaphore(%arg10 : memref<!tpu.dma_semaphore, #tpu.memory_space<semaphore_mem>>) src(%arg4 : memref<16x2048xf32, #tpu.memory_space<vmem>>) dst(%dma_wait3A_232 : memref<16x2048xf32, #tpu.memory_space<hbm>>)
    %add3A_233 = arith.constant 192 : i32
    %add3A_234 = arith.addi %mul3A_2, %add3A_233 : i32
    %dma_start3A_235 = arith.constant 0 : i32
    %dma_start3A_236 = tpu.memref_slice %arg2[%add3A_234, %dma_start3A_235] : memref<16384x2048xf32, #tpu.memory_space<hbm>> -> memref<16x2048xf32, #tpu.memory_space<hbm>>
    %dma_start3A_237 = arith.constant 0 : i32
    %dma_start3A_238 = tpu.memref_slice %arg2[%add3A_234, %dma_start3A_237] : memref<16384x2048xf32, #tpu.memory_space<hbm>> -> memref<16x2048xf32, #tpu.memory_space<hbm>>
    tpu.enqueue_dma source(%dma_start3A_238 : memref<16x2048xf32, #tpu.memory_space<hbm>>) target(%arg4 : memref<16x2048xf32, #tpu.memory_space<vmem>>) target_semaphore(%arg7 : memref<!tpu.dma_semaphore, #tpu.memory_space<semaphore_mem>>)
    %dma_wait3A_239 = arith.constant 0 : i32
    %dma_wait3A_240 = tpu.memref_slice %arg2[%add3A_234, %dma_wait3A_239] : memref<16384x2048xf32, #tpu.memory_space<hbm>> -> memref<16x2048xf32, #tpu.memory_space<hbm>>
    %dma_wait3A_241 = arith.constant 0 : i32
    %dma_wait3A_242 = tpu.memref_slice %arg2[%add3A_234, %dma_wait3A_241] : memref<16384x2048xf32, #tpu.memory_space<hbm>> -> memref<16x2048xf32, #tpu.memory_space<hbm>>
    tpu.wait_dma2 semaphore(%arg7 : memref<!tpu.dma_semaphore, #tpu.memory_space<semaphore_mem>>) src(%dma_wait3A_242 : memref<16x2048xf32, #tpu.memory_space<hbm>>) dst(%arg4 : memref<16x2048xf32, #tpu.memory_space<vmem>>)
    %add3A_243 = arith.constant 192 : i32
    %add3A_244 = arith.addi %mul3A_2, %add3A_243 : i32
    %dma_start3A_245 = arith.constant 0 : i32
    %dma_start3A_246 = tpu.memref_slice %arg3[%add3A_244, %dma_start3A_245] : memref<16384x2048xf32, #tpu.memory_space<hbm>> -> memref<16x2048xf32, #tpu.memory_space<hbm>>
    %dma_start3A_247 = arith.constant 0 : i32
    %dma_start3A_248 = tpu.memref_slice %arg3[%add3A_244, %dma_start3A_247] : memref<16384x2048xf32, #tpu.memory_space<hbm>> -> memref<16x2048xf32, #tpu.memory_space<hbm>>
    tpu.enqueue_dma source(%arg4 : memref<16x2048xf32, #tpu.memory_space<vmem>>) target(%dma_start3A_248 : memref<16x2048xf32, #tpu.memory_space<hbm>>) target_semaphore(%arg10 : memref<!tpu.dma_semaphore, #tpu.memory_space<semaphore_mem>>)
    %dma_wait3A_249 = arith.constant 0 : i32
    %dma_wait3A_250 = tpu.memref_slice %arg3[%add3A_204, %dma_wait3A_249] : memref<16384x2048xf32, #tpu.memory_space<hbm>> -> memref<16x2048xf32, #tpu.memory_space<hbm>>
    %dma_wait3A_251 = arith.constant 0 : i32
    %dma_wait3A_252 = tpu.memref_slice %arg3[%add3A_204, %dma_wait3A_251] : memref<16384x2048xf32, #tpu.memory_space<hbm>> -> memref<16x2048xf32, #tpu.memory_space<hbm>>
    tpu.wait_dma2 semaphore(%arg11 : memref<!tpu.dma_semaphore, #tpu.memory_space<semaphore_mem>>) src(%arg5 : memref<16x2048xf32, #tpu.memory_space<vmem>>) dst(%dma_wait3A_252 : memref<16x2048xf32, #tpu.memory_space<hbm>>)
    %add3A_253 = arith.constant 208 : i32
    %add3A_254 = arith.addi %mul3A_2, %add3A_253 : i32
    %dma_start3A_255 = arith.constant 0 : i32
    %dma_start3A_256 = tpu.memref_slice %arg2[%add3A_254, %dma_start3A_255] : memref<16384x2048xf32, #tpu.memory_space<hbm>> -> memref<16x2048xf32, #tpu.memory_space<hbm>>
    %dma_start3A_257 = arith.constant 0 : i32
    %dma_start3A_258 = tpu.memref_slice %arg2[%add3A_254, %dma_start3A_257] : memref<16384x2048xf32, #tpu.memory_space<hbm>> -> memref<16x2048xf32, #tpu.memory_space<hbm>>
    tpu.enqueue_dma source(%dma_start3A_258 : memref<16x2048xf32, #tpu.memory_space<hbm>>) target(%arg5 : memref<16x2048xf32, #tpu.memory_space<vmem>>) target_semaphore(%arg8 : memref<!tpu.dma_semaphore, #tpu.memory_space<semaphore_mem>>)
    %dma_wait3A_259 = arith.constant 0 : i32
    %dma_wait3A_260 = tpu.memref_slice %arg2[%add3A_254, %dma_wait3A_259] : memref<16384x2048xf32, #tpu.memory_space<hbm>> -> memref<16x2048xf32, #tpu.memory_space<hbm>>
    %dma_wait3A_261 = arith.constant 0 : i32
    %dma_wait3A_262 = tpu.memref_slice %arg2[%add3A_254, %dma_wait3A_261] : memref<16384x2048xf32, #tpu.memory_space<hbm>> -> memref<16x2048xf32, #tpu.memory_space<hbm>>
    tpu.wait_dma2 semaphore(%arg8 : memref<!tpu.dma_semaphore, #tpu.memory_space<semaphore_mem>>) src(%dma_wait3A_262 : memref<16x2048xf32, #tpu.memory_space<hbm>>) dst(%arg5 : memref<16x2048xf32, #tpu.memory_space<vmem>>)
    %add3A_263 = arith.constant 208 : i32
    %add3A_264 = arith.addi %mul3A_2, %add3A_263 : i32
    %dma_start3A_265 = arith.constant 0 : i32
    %dma_start3A_266 = tpu.memref_slice %arg3[%add3A_264, %dma_start3A_265] : memref<16384x2048xf32, #tpu.memory_space<hbm>> -> memref<16x2048xf32, #tpu.memory_space<hbm>>
    %dma_start3A_267 = arith.constant 0 : i32
    %dma_start3A_268 = tpu.memref_slice %arg3[%add3A_264, %dma_start3A_267] : memref<16384x2048xf32, #tpu.memory_space<hbm>> -> memref<16x2048xf32, #tpu.memory_space<hbm>>
    tpu.enqueue_dma source(%arg5 : memref<16x2048xf32, #tpu.memory_space<vmem>>) target(%dma_start3A_268 : memref<16x2048xf32, #tpu.memory_space<hbm>>) target_semaphore(%arg11 : memref<!tpu.dma_semaphore, #tpu.memory_space<semaphore_mem>>)
    %dma_wait3A_269 = arith.constant 0 : i32
    %dma_wait3A_270 = tpu.memref_slice %arg3[%add3A_224, %dma_wait3A_269] : memref<16384x2048xf32, #tpu.memory_space<hbm>> -> memref<16x2048xf32, #tpu.memory_space<hbm>>
    %dma_wait3A_271 = arith.constant 0 : i32
    %dma_wait3A_272 = tpu.memref_slice %arg3[%add3A_224, %dma_wait3A_271] : memref<16384x2048xf32, #tpu.memory_space<hbm>> -> memref<16x2048xf32, #tpu.memory_space<hbm>>
    tpu.wait_dma2 semaphore(%arg12 : memref<!tpu.dma_semaphore, #tpu.memory_space<semaphore_mem>>) src(%arg6 : memref<16x2048xf32, #tpu.memory_space<vmem>>) dst(%dma_wait3A_272 : memref<16x2048xf32, #tpu.memory_space<hbm>>)
    %add3A_273 = arith.constant 224 : i32
    %add3A_274 = arith.addi %mul3A_2, %add3A_273 : i32
    %dma_start3A_275 = arith.constant 0 : i32
    %dma_start3A_276 = tpu.memref_slice %arg2[%add3A_274, %dma_start3A_275] : memref<16384x2048xf32, #tpu.memory_space<hbm>> -> memref<16x2048xf32, #tpu.memory_space<hbm>>
    %dma_start3A_277 = arith.constant 0 : i32
    %dma_start3A_278 = tpu.memref_slice %arg2[%add3A_274, %dma_start3A_277] : memref<16384x2048xf32, #tpu.memory_space<hbm>> -> memref<16x2048xf32, #tpu.memory_space<hbm>>
    tpu.enqueue_dma source(%dma_start3A_278 : memref<16x2048xf32, #tpu.memory_space<hbm>>) target(%arg6 : memref<16x2048xf32, #tpu.memory_space<vmem>>) target_semaphore(%arg9 : memref<!tpu.dma_semaphore, #tpu.memory_space<semaphore_mem>>)
    %dma_wait3A_279 = arith.constant 0 : i32
    %dma_wait3A_280 = tpu.memref_slice %arg2[%add3A_274, %dma_wait3A_279] : memref<16384x2048xf32, #tpu.memory_space<hbm>> -> memref<16x2048xf32, #tpu.memory_space<hbm>>
    %dma_wait3A_281 = arith.constant 0 : i32
    %dma_wait3A_282 = tpu.memref_slice %arg2[%add3A_274, %dma_wait3A_281] : memref<16384x2048xf32, #tpu.memory_space<hbm>> -> memref<16x2048xf32, #tpu.memory_space<hbm>>
    tpu.wait_dma2 semaphore(%arg9 : memref<!tpu.dma_semaphore, #tpu.memory_space<semaphore_mem>>) src(%dma_wait3A_282 : memref<16x2048xf32, #tpu.memory_space<hbm>>) dst(%arg6 : memref<16x2048xf32, #tpu.memory_space<vmem>>)
    %add3A_283 = arith.constant 224 : i32
    %add3A_284 = arith.addi %mul3A_2, %add3A_283 : i32
    %dma_start3A_285 = arith.constant 0 : i32
    %dma_start3A_286 = tpu.memref_slice %arg3[%add3A_284, %dma_start3A_285] : memref<16384x2048xf32, #tpu.memory_space<hbm>> -> memref<16x2048xf32, #tpu.memory_space<hbm>>
    %dma_start3A_287 = arith.constant 0 : i32
    %dma_start3A_288 = tpu.memref_slice %arg3[%add3A_284, %dma_start3A_287] : memref<16384x2048xf32, #tpu.memory_space<hbm>> -> memref<16x2048xf32, #tpu.memory_space<hbm>>
    tpu.enqueue_dma source(%arg6 : memref<16x2048xf32, #tpu.memory_space<vmem>>) target(%dma_start3A_288 : memref<16x2048xf32, #tpu.memory_space<hbm>>) target_semaphore(%arg12 : memref<!tpu.dma_semaphore, #tpu.memory_space<semaphore_mem>>)
    %dma_wait3A_289 = arith.constant 0 : i32
    %dma_wait3A_290 = tpu.memref_slice %arg3[%add3A_244, %dma_wait3A_289] : memref<16384x2048xf32, #tpu.memory_space<hbm>> -> memref<16x2048xf32, #tpu.memory_space<hbm>>
    %dma_wait3A_291 = arith.constant 0 : i32
    %dma_wait3A_292 = tpu.memref_slice %arg3[%add3A_244, %dma_wait3A_291] : memref<16384x2048xf32, #tpu.memory_space<hbm>> -> memref<16x2048xf32, #tpu.memory_space<hbm>>
    tpu.wait_dma2 semaphore(%arg10 : memref<!tpu.dma_semaphore, #tpu.memory_space<semaphore_mem>>) src(%arg4 : memref<16x2048xf32, #tpu.memory_space<vmem>>) dst(%dma_wait3A_292 : memref<16x2048xf32, #tpu.memory_space<hbm>>)
    %add3A_293 = arith.constant 240 : i32
    %add3A_294 = arith.addi %mul3A_2, %add3A_293 : i32
    %dma_start3A_295 = arith.constant 0 : i32
    %dma_start3A_296 = tpu.memref_slice %arg2[%add3A_294, %dma_start3A_295] : memref<16384x2048xf32, #tpu.memory_space<hbm>> -> memref<16x2048xf32, #tpu.memory_space<hbm>>
    %dma_start3A_297 = arith.constant 0 : i32
    %dma_start3A_298 = tpu.memref_slice %arg2[%add3A_294, %dma_start3A_297] : memref<16384x2048xf32, #tpu.memory_space<hbm>> -> memref<16x2048xf32, #tpu.memory_space<hbm>>
    tpu.enqueue_dma source(%dma_start3A_298 : memref<16x2048xf32, #tpu.memory_space<hbm>>) target(%arg4 : memref<16x2048xf32, #tpu.memory_space<vmem>>) target_semaphore(%arg7 : memref<!tpu.dma_semaphore, #tpu.memory_space<semaphore_mem>>)
    %dma_wait3A_299 = arith.constant 0 : i32
    %dma_wait3A_300 = tpu.memref_slice %arg2[%add3A_294, %dma_wait3A_299] : memref<16384x2048xf32, #tpu.memory_space<hbm>> -> memref<16x2048xf32, #tpu.memory_space<hbm>>
    %dma_wait3A_301 = arith.constant 0 : i32
    %dma_wait3A_302 = tpu.memref_slice %arg2[%add3A_294, %dma_wait3A_301] : memref<16384x2048xf32, #tpu.memory_space<hbm>> -> memref<16x2048xf32, #tpu.memory_space<hbm>>
    tpu.wait_dma2 semaphore(%arg7 : memref<!tpu.dma_semaphore, #tpu.memory_space<semaphore_mem>>) src(%dma_wait3A_302 : memref<16x2048xf32, #tpu.memory_space<hbm>>) dst(%arg4 : memref<16x2048xf32, #tpu.memory_space<vmem>>)
    %add3A_303 = arith.constant 240 : i32
    %add3A_304 = arith.addi %mul3A_2, %add3A_303 : i32
    %dma_start3A_305 = arith.constant 0 : i32
    %dma_start3A_306 = tpu.memref_slice %arg3[%add3A_304, %dma_start3A_305] : memref<16384x2048xf32, #tpu.memory_space<hbm>> -> memref<16x2048xf32, #tpu.memory_space<hbm>>
    %dma_start3A_307 = arith.constant 0 : i32
    %dma_start3A_308 = tpu.memref_slice %arg3[%add3A_304, %dma_start3A_307] : memref<16384x2048xf32, #tpu.memory_space<hbm>> -> memref<16x2048xf32, #tpu.memory_space<hbm>>
    tpu.enqueue_dma source(%arg4 : memref<16x2048xf32, #tpu.memory_space<vmem>>) target(%dma_start3A_308 : memref<16x2048xf32, #tpu.memory_space<hbm>>) target_semaphore(%arg10 : memref<!tpu.dma_semaphore, #tpu.memory_space<semaphore_mem>>)
    %dma_wait3A_309 = arith.constant 0 : i32
    %dma_wait3A_310 = tpu.memref_slice %arg3[%add3A_264, %dma_wait3A_309] : memref<16384x2048xf32, #tpu.memory_space<hbm>> -> memref<16x2048xf32, #tpu.memory_space<hbm>>
    %dma_wait3A_311 = arith.constant 0 : i32
    %dma_wait3A_312 = tpu.memref_slice %arg3[%add3A_264, %dma_wait3A_311] : memref<16384x2048xf32, #tpu.memory_space<hbm>> -> memref<16x2048xf32, #tpu.memory_space<hbm>>
    tpu.wait_dma2 semaphore(%arg11 : memref<!tpu.dma_semaphore, #tpu.memory_space<semaphore_mem>>) src(%arg5 : memref<16x2048xf32, #tpu.memory_space<vmem>>) dst(%dma_wait3A_312 : memref<16x2048xf32, #tpu.memory_space<hbm>>)
    %add3A_313 = arith.constant 256 : i32
    %add3A_314 = arith.addi %mul3A_2, %add3A_313 : i32
    %dma_start3A_315 = arith.constant 0 : i32
    %dma_start3A_316 = tpu.memref_slice %arg2[%add3A_314, %dma_start3A_315] : memref<16384x2048xf32, #tpu.memory_space<hbm>> -> memref<16x2048xf32, #tpu.memory_space<hbm>>
    %dma_start3A_317 = arith.constant 0 : i32
    %dma_start3A_318 = tpu.memref_slice %arg2[%add3A_314, %dma_start3A_317] : memref<16384x2048xf32, #tpu.memory_space<hbm>> -> memref<16x2048xf32, #tpu.memory_space<hbm>>
    tpu.enqueue_dma source(%dma_start3A_318 : memref<16x2048xf32, #tpu.memory_space<hbm>>) target(%arg5 : memref<16x2048xf32, #tpu.memory_space<vmem>>) target_semaphore(%arg8 : memref<!tpu.dma_semaphore, #tpu.memory_space<semaphore_mem>>)
    %dma_wait3A_319 = arith.constant 0 : i32
    %dma_wait3A_320 = tpu.memref_slice %arg2[%add3A_314, %dma_wait3A_319] : memref<16384x2048xf32, #tpu.memory_space<hbm>> -> memref<16x2048xf32, #tpu.memory_space<hbm>>
    %dma_wait3A_321 = arith.constant 0 : i32
    %dma_wait3A_322 = tpu.memref_slice %arg2[%add3A_314, %dma_wait3A_321] : memref<16384x2048xf32, #tpu.memory_space<hbm>> -> memref<16x2048xf32, #tpu.memory_space<hbm>>
    tpu.wait_dma2 semaphore(%arg8 : memref<!tpu.dma_semaphore, #tpu.memory_space<semaphore_mem>>) src(%dma_wait3A_322 : memref<16x2048xf32, #tpu.memory_space<hbm>>) dst(%arg5 : memref<16x2048xf32, #tpu.memory_space<vmem>>)
    %add3A_323 = arith.constant 256 : i32
    %add3A_324 = arith.addi %mul3A_2, %add3A_323 : i32
    %dma_start3A_325 = arith.constant 0 : i32
    %dma_start3A_326 = tpu.memref_slice %arg3[%add3A_324, %dma_start3A_325] : memref<16384x2048xf32, #tpu.memory_space<hbm>> -> memref<16x2048xf32, #tpu.memory_space<hbm>>
    %dma_start3A_327 = arith.constant 0 : i32
    %dma_start3A_328 = tpu.memref_slice %arg3[%add3A_324, %dma_start3A_327] : memref<16384x2048xf32, #tpu.memory_space<hbm>> -> memref<16x2048xf32, #tpu.memory_space<hbm>>
    tpu.enqueue_dma source(%arg5 : memref<16x2048xf32, #tpu.memory_space<vmem>>) target(%dma_start3A_328 : memref<16x2048xf32, #tpu.memory_space<hbm>>) target_semaphore(%arg11 : memref<!tpu.dma_semaphore, #tpu.memory_space<semaphore_mem>>)
    %dma_wait3A_329 = arith.constant 0 : i32
    %dma_wait3A_330 = tpu.memref_slice %arg3[%add3A_284, %dma_wait3A_329] : memref<16384x2048xf32, #tpu.memory_space<hbm>> -> memref<16x2048xf32, #tpu.memory_space<hbm>>
    %dma_wait3A_331 = arith.constant 0 : i32
    %dma_wait3A_332 = tpu.memref_slice %arg3[%add3A_284, %dma_wait3A_331] : memref<16384x2048xf32, #tpu.memory_space<hbm>> -> memref<16x2048xf32, #tpu.memory_space<hbm>>
    tpu.wait_dma2 semaphore(%arg12 : memref<!tpu.dma_semaphore, #tpu.memory_space<semaphore_mem>>) src(%arg6 : memref<16x2048xf32, #tpu.memory_space<vmem>>) dst(%dma_wait3A_332 : memref<16x2048xf32, #tpu.memory_space<hbm>>)
    %add3A_333 = arith.constant 272 : i32
    %add3A_334 = arith.addi %mul3A_2, %add3A_333 : i32
    %dma_start3A_335 = arith.constant 0 : i32
    %dma_start3A_336 = tpu.memref_slice %arg2[%add3A_334, %dma_start3A_335] : memref<16384x2048xf32, #tpu.memory_space<hbm>> -> memref<16x2048xf32, #tpu.memory_space<hbm>>
    %dma_start3A_337 = arith.constant 0 : i32
    %dma_start3A_338 = tpu.memref_slice %arg2[%add3A_334, %dma_start3A_337] : memref<16384x2048xf32, #tpu.memory_space<hbm>> -> memref<16x2048xf32, #tpu.memory_space<hbm>>
    tpu.enqueue_dma source(%dma_start3A_338 : memref<16x2048xf32, #tpu.memory_space<hbm>>) target(%arg6 : memref<16x2048xf32, #tpu.memory_space<vmem>>) target_semaphore(%arg9 : memref<!tpu.dma_semaphore, #tpu.memory_space<semaphore_mem>>)
    %dma_wait3A_339 = arith.constant 0 : i32
    %dma_wait3A_340 = tpu.memref_slice %arg2[%add3A_334, %dma_wait3A_339] : memref<16384x2048xf32, #tpu.memory_space<hbm>> -> memref<16x2048xf32, #tpu.memory_space<hbm>>
    %dma_wait3A_341 = arith.constant 0 : i32
    %dma_wait3A_342 = tpu.memref_slice %arg2[%add3A_334, %dma_wait3A_341] : memref<16384x2048xf32, #tpu.memory_space<hbm>> -> memref<16x2048xf32, #tpu.memory_space<hbm>>
    tpu.wait_dma2 semaphore(%arg9 : memref<!tpu.dma_semaphore, #tpu.memory_space<semaphore_mem>>) src(%dma_wait3A_342 : memref<16x2048xf32, #tpu.memory_space<hbm>>) dst(%arg6 : memref<16x2048xf32, #tpu.memory_space<vmem>>)
    %add3A_343 = arith.constant 272 : i32
    %add3A_344 = arith.addi %mul3A_2, %add3A_343 : i32
    %dma_start3A_345 = arith.constant 0 : i32
    %dma_start3A_346 = tpu.memref_slice %arg3[%add3A_344, %dma_start3A_345] : memref<16384x2048xf32, #tpu.memory_space<hbm>> -> memref<16x2048xf32, #tpu.memory_space<hbm>>
    %dma_start3A_347 = arith.constant 0 : i32
    %dma_start3A_348 = tpu.memref_slice %arg3[%add3A_344, %dma_start3A_347] : memref<16384x2048xf32, #tpu.memory_space<hbm>> -> memref<16x2048xf32, #tpu.memory_space<hbm>>
    tpu.enqueue_dma source(%arg6 : memref<16x2048xf32, #tpu.memory_space<vmem>>) target(%dma_start3A_348 : memref<16x2048xf32, #tpu.memory_space<hbm>>) target_semaphore(%arg12 : memref<!tpu.dma_semaphore, #tpu.memory_space<semaphore_mem>>)
    %dma_wait3A_349 = arith.constant 0 : i32
    %dma_wait3A_350 = tpu.memref_slice %arg3[%add3A_304, %dma_wait3A_349] : memref<16384x2048xf32, #tpu.memory_space<hbm>> -> memref<16x2048xf32, #tpu.memory_space<hbm>>
    %dma_wait3A_351 = arith.constant 0 : i32
    %dma_wait3A_352 = tpu.memref_slice %arg3[%add3A_304, %dma_wait3A_351] : memref<16384x2048xf32, #tpu.memory_space<hbm>> -> memref<16x2048xf32, #tpu.memory_space<hbm>>
    tpu.wait_dma2 semaphore(%arg10 : memref<!tpu.dma_semaphore, #tpu.memory_space<semaphore_mem>>) src(%arg4 : memref<16x2048xf32, #tpu.memory_space<vmem>>) dst(%dma_wait3A_352 : memref<16x2048xf32, #tpu.memory_space<hbm>>)
    %add3A_353 = arith.constant 288 : i32
    %add3A_354 = arith.addi %mul3A_2, %add3A_353 : i32
    %dma_start3A_355 = arith.constant 0 : i32
    %dma_start3A_356 = tpu.memref_slice %arg2[%add3A_354, %dma_start3A_355] : memref<16384x2048xf32, #tpu.memory_space<hbm>> -> memref<16x2048xf32, #tpu.memory_space<hbm>>
    %dma_start3A_357 = arith.constant 0 : i32
    %dma_start3A_358 = tpu.memref_slice %arg2[%add3A_354, %dma_start3A_357] : memref<16384x2048xf32, #tpu.memory_space<hbm>> -> memref<16x2048xf32, #tpu.memory_space<hbm>>
    tpu.enqueue_dma source(%dma_start3A_358 : memref<16x2048xf32, #tpu.memory_space<hbm>>) target(%arg4 : memref<16x2048xf32, #tpu.memory_space<vmem>>) target_semaphore(%arg7 : memref<!tpu.dma_semaphore, #tpu.memory_space<semaphore_mem>>)
    %dma_wait3A_359 = arith.constant 0 : i32
    %dma_wait3A_360 = tpu.memref_slice %arg2[%add3A_354, %dma_wait3A_359] : memref<16384x2048xf32, #tpu.memory_space<hbm>> -> memref<16x2048xf32, #tpu.memory_space<hbm>>
    %dma_wait3A_361 = arith.constant 0 : i32
    %dma_wait3A_362 = tpu.memref_slice %arg2[%add3A_354, %dma_wait3A_361] : memref<16384x2048xf32, #tpu.memory_space<hbm>> -> memref<16x2048xf32, #tpu.memory_space<hbm>>
    tpu.wait_dma2 semaphore(%arg7 : memref<!tpu.dma_semaphore, #tpu.memory_space<semaphore_mem>>) src(%dma_wait3A_362 : memref<16x2048xf32, #tpu.memory_space<hbm>>) dst(%arg4 : memref<16x2048xf32, #tpu.memory_space<vmem>>)
    %add3A_363 = arith.constant 288 : i32
    %add3A_364 = arith.addi %mul3A_2, %add3A_363 : i32
    %dma_start3A_365 = arith.constant 0 : i32
    %dma_start3A_366 = tpu.memref_slice %arg3[%add3A_364, %dma_start3A_365] : memref<16384x2048xf32, #tpu.memory_space<hbm>> -> memref<16x2048xf32, #tpu.memory_space<hbm>>
    %dma_start3A_367 = arith.constant 0 : i32
    %dma_start3A_368 = tpu.memref_slice %arg3[%add3A_364, %dma_start3A_367] : memref<16384x2048xf32, #tpu.memory_space<hbm>> -> memref<16x2048xf32, #tpu.memory_space<hbm>>
    tpu.enqueue_dma source(%arg4 : memref<16x2048xf32, #tpu.memory_space<vmem>>) target(%dma_start3A_368 : memref<16x2048xf32, #tpu.memory_space<hbm>>) target_semaphore(%arg10 : memref<!tpu.dma_semaphore, #tpu.memory_space<semaphore_mem>>)
    %dma_wait3A_369 = arith.constant 0 : i32
    %dma_wait3A_370 = tpu.memref_slice %arg3[%add3A_324, %dma_wait3A_369] : memref<16384x2048xf32, #tpu.memory_space<hbm>> -> memref<16x2048xf32, #tpu.memory_space<hbm>>
    %dma_wait3A_371 = arith.constant 0 : i32
    %dma_wait3A_372 = tpu.memref_slice %arg3[%add3A_324, %dma_wait3A_371] : memref<16384x2048xf32, #tpu.memory_space<hbm>> -> memref<16x2048xf32, #tpu.memory_space<hbm>>
    tpu.wait_dma2 semaphore(%arg11 : memref<!tpu.dma_semaphore, #tpu.memory_space<semaphore_mem>>) src(%arg5 : memref<16x2048xf32, #tpu.memory_space<vmem>>) dst(%dma_wait3A_372 : memref<16x2048xf32, #tpu.memory_space<hbm>>)
    %add3A_373 = arith.constant 304 : i32
    %add3A_374 = arith.addi %mul3A_2, %add3A_373 : i32
    %dma_start3A_375 = arith.constant 0 : i32
    %dma_start3A_376 = tpu.memref_slice %arg2[%add3A_374, %dma_start3A_375] : memref<16384x2048xf32, #tpu.memory_space<hbm>> -> memref<16x2048xf32, #tpu.memory_space<hbm>>
    %dma_start3A_377 = arith.constant 0 : i32
    %dma_start3A_378 = tpu.memref_slice %arg2[%add3A_374, %dma_start3A_377] : memref<16384x2048xf32, #tpu.memory_space<hbm>> -> memref<16x2048xf32, #tpu.memory_space<hbm>>
    tpu.enqueue_dma source(%dma_start3A_378 : memref<16x2048xf32, #tpu.memory_space<hbm>>) target(%arg5 : memref<16x2048xf32, #tpu.memory_space<vmem>>) target_semaphore(%arg8 : memref<!tpu.dma_semaphore, #tpu.memory_space<semaphore_mem>>)
    %dma_wait3A_379 = arith.constant 0 : i32
    %dma_wait3A_380 = tpu.memref_slice %arg2[%add3A_374, %dma_wait3A_379] : memref<16384x2048xf32, #tpu.memory_space<hbm>> -> memref<16x2048xf32, #tpu.memory_space<hbm>>
    %dma_wait3A_381 = arith.constant 0 : i32
    %dma_wait3A_382 = tpu.memref_slice %arg2[%add3A_374, %dma_wait3A_381] : memref<16384x2048xf32, #tpu.memory_space<hbm>> -> memref<16x2048xf32, #tpu.memory_space<hbm>>
    tpu.wait_dma2 semaphore(%arg8 : memref<!tpu.dma_semaphore, #tpu.memory_space<semaphore_mem>>) src(%dma_wait3A_382 : memref<16x2048xf32, #tpu.memory_space<hbm>>) dst(%arg5 : memref<16x2048xf32, #tpu.memory_space<vmem>>)
    %add3A_383 = arith.constant 304 : i32
    %add3A_384 = arith.addi %mul3A_2, %add3A_383 : i32
    %dma_start3A_385 = arith.constant 0 : i32
    %dma_start3A_386 = tpu.memref_slice %arg3[%add3A_384, %dma_start3A_385] : memref<16384x2048xf32, #tpu.memory_space<hbm>> -> memref<16x2048xf32, #tpu.memory_space<hbm>>
    %dma_start3A_387 = arith.constant 0 : i32
    %dma_start3A_388 = tpu.memref_slice %arg3[%add3A_384, %dma_start3A_387] : memref<16384x2048xf32, #tpu.memory_space<hbm>> -> memref<16x2048xf32, #tpu.memory_space<hbm>>
    tpu.enqueue_dma source(%arg5 : memref<16x2048xf32, #tpu.memory_space<vmem>>) target(%dma_start3A_388 : memref<16x2048xf32, #tpu.memory_space<hbm>>) target_semaphore(%arg11 : memref<!tpu.dma_semaphore, #tpu.memory_space<semaphore_mem>>)
    %dma_wait3A_389 = arith.constant 0 : i32
    %dma_wait3A_390 = tpu.memref_slice %arg3[%add3A_344, %dma_wait3A_389] : memref<16384x2048xf32, #tpu.memory_space<hbm>> -> memref<16x2048xf32, #tpu.memory_space<hbm>>
    %dma_wait3A_391 = arith.constant 0 : i32
    %dma_wait3A_392 = tpu.memref_slice %arg3[%add3A_344, %dma_wait3A_391] : memref<16384x2048xf32, #tpu.memory_space<hbm>> -> memref<16x2048xf32, #tpu.memory_space<hbm>>
    tpu.wait_dma2 semaphore(%arg12 : memref<!tpu.dma_semaphore, #tpu.memory_space<semaphore_mem>>) src(%arg6 : memref<16x2048xf32, #tpu.memory_space<vmem>>) dst(%dma_wait3A_392 : memref<16x2048xf32, #tpu.memory_space<hbm>>)
    %add3A_393 = arith.constant 320 : i32
    %add3A_394 = arith.addi %mul3A_2, %add3A_393 : i32
    %dma_start3A_395 = arith.constant 0 : i32
    %dma_start3A_396 = tpu.memref_slice %arg2[%add3A_394, %dma_start3A_395] : memref<16384x2048xf32, #tpu.memory_space<hbm>> -> memref<16x2048xf32, #tpu.memory_space<hbm>>
    %dma_start3A_397 = arith.constant 0 : i32
    %dma_start3A_398 = tpu.memref_slice %arg2[%add3A_394, %dma_start3A_397] : memref<16384x2048xf32, #tpu.memory_space<hbm>> -> memref<16x2048xf32, #tpu.memory_space<hbm>>
    tpu.enqueue_dma source(%dma_start3A_398 : memref<16x2048xf32, #tpu.memory_space<hbm>>) target(%arg6 : memref<16x2048xf32, #tpu.memory_space<vmem>>) target_semaphore(%arg9 : memref<!tpu.dma_semaphore, #tpu.memory_space<semaphore_mem>>)
    %dma_wait3A_399 = arith.constant 0 : i32
    %dma_wait3A_400 = tpu.memref_slice %arg2[%add3A_394, %dma_wait3A_399] : memref<16384x2048xf32, #tpu.memory_space<hbm>> -> memref<16x2048xf32, #tpu.memory_space<hbm>>
    %dma_wait3A_401 = arith.constant 0 : i32
    %dma_wait3A_402 = tpu.memref_slice %arg2[%add3A_394, %dma_wait3A_401] : memref<16384x2048xf32, #tpu.memory_space<hbm>> -> memref<16x2048xf32, #tpu.memory_space<hbm>>
    tpu.wait_dma2 semaphore(%arg9 : memref<!tpu.dma_semaphore, #tpu.memory_space<semaphore_mem>>) src(%dma_wait3A_402 : memref<16x2048xf32, #tpu.memory_space<hbm>>) dst(%arg6 : memref<16x2048xf32, #tpu.memory_space<vmem>>)
    %add3A_403 = arith.constant 320 : i32
    %add3A_404 = arith.addi %mul3A_2, %add3A_403 : i32
    %dma_start3A_405 = arith.constant 0 : i32
    %dma_start3A_406 = tpu.memref_slice %arg3[%add3A_404, %dma_start3A_405] : memref<16384x2048xf32, #tpu.memory_space<hbm>> -> memref<16x2048xf32, #tpu.memory_space<hbm>>
    %dma_start3A_407 = arith.constant 0 : i32
    %dma_start3A_408 = tpu.memref_slice %arg3[%add3A_404, %dma_start3A_407] : memref<16384x2048xf32, #tpu.memory_space<hbm>> -> memref<16x2048xf32, #tpu.memory_space<hbm>>
    tpu.enqueue_dma source(%arg6 : memref<16x2048xf32, #tpu.memory_space<vmem>>) target(%dma_start3A_408 : memref<16x2048xf32, #tpu.memory_space<hbm>>) target_semaphore(%arg12 : memref<!tpu.dma_semaphore, #tpu.memory_space<semaphore_mem>>)
    %dma_wait3A_409 = arith.constant 0 : i32
    %dma_wait3A_410 = tpu.memref_slice %arg3[%add3A_364, %dma_wait3A_409] : memref<16384x2048xf32, #tpu.memory_space<hbm>> -> memref<16x2048xf32, #tpu.memory_space<hbm>>
    %dma_wait3A_411 = arith.constant 0 : i32
    %dma_wait3A_412 = tpu.memref_slice %arg3[%add3A_364, %dma_wait3A_411] : memref<16384x2048xf32, #tpu.memory_space<hbm>> -> memref<16x2048xf32, #tpu.memory_space<hbm>>
    tpu.wait_dma2 semaphore(%arg10 : memref<!tpu.dma_semaphore, #tpu.memory_space<semaphore_mem>>) src(%arg4 : memref<16x2048xf32, #tpu.memory_space<vmem>>) dst(%dma_wait3A_412 : memref<16x2048xf32, #tpu.memory_space<hbm>>)
    %add3A_413 = arith.constant 336 : i32
    %add3A_414 = arith.addi %mul3A_2, %add3A_413 : i32
    %dma_start3A_415 = arith.constant 0 : i32
    %dma_start3A_416 = tpu.memref_slice %arg2[%add3A_414, %dma_start3A_415] : memref<16384x2048xf32, #tpu.memory_space<hbm>> -> memref<16x2048xf32, #tpu.memory_space<hbm>>
    %dma_start3A_417 = arith.constant 0 : i32
    %dma_start3A_418 = tpu.memref_slice %arg2[%add3A_414, %dma_start3A_417] : memref<16384x2048xf32, #tpu.memory_space<hbm>> -> memref<16x2048xf32, #tpu.memory_space<hbm>>
    tpu.enqueue_dma source(%dma_start3A_418 : memref<16x2048xf32, #tpu.memory_space<hbm>>) target(%arg4 : memref<16x2048xf32, #tpu.memory_space<vmem>>) target_semaphore(%arg7 : memref<!tpu.dma_semaphore, #tpu.memory_space<semaphore_mem>>)
    %dma_wait3A_419 = arith.constant 0 : i32
    %dma_wait3A_420 = tpu.memref_slice %arg2[%add3A_414, %dma_wait3A_419] : memref<16384x2048xf32, #tpu.memory_space<hbm>> -> memref<16x2048xf32, #tpu.memory_space<hbm>>
    %dma_wait3A_421 = arith.constant 0 : i32
    %dma_wait3A_422 = tpu.memref_slice %arg2[%add3A_414, %dma_wait3A_421] : memref<16384x2048xf32, #tpu.memory_space<hbm>> -> memref<16x2048xf32, #tpu.memory_space<hbm>>
    tpu.wait_dma2 semaphore(%arg7 : memref<!tpu.dma_semaphore, #tpu.memory_space<semaphore_mem>>) src(%dma_wait3A_422 : memref<16x2048xf32, #tpu.memory_space<hbm>>) dst(%arg4 : memref<16x2048xf32, #tpu.memory_space<vmem>>)
    %add3A_423 = arith.constant 336 : i32
    %add3A_424 = arith.addi %mul3A_2, %add3A_423 : i32
    %dma_start3A_425 = arith.constant 0 : i32
    %dma_start3A_426 = tpu.memref_slice %arg3[%add3A_424, %dma_start3A_425] : memref<16384x2048xf32, #tpu.memory_space<hbm>> -> memref<16x2048xf32, #tpu.memory_space<hbm>>
    %dma_start3A_427 = arith.constant 0 : i32
    %dma_start3A_428 = tpu.memref_slice %arg3[%add3A_424, %dma_start3A_427] : memref<16384x2048xf32, #tpu.memory_space<hbm>> -> memref<16x2048xf32, #tpu.memory_space<hbm>>
    tpu.enqueue_dma source(%arg4 : memref<16x2048xf32, #tpu.memory_space<vmem>>) target(%dma_start3A_428 : memref<16x2048xf32, #tpu.memory_space<hbm>>) target_semaphore(%arg10 : memref<!tpu.dma_semaphore, #tpu.memory_space<semaphore_mem>>)
    %dma_wait3A_429 = arith.constant 0 : i32
    %dma_wait3A_430 = tpu.memref_slice %arg3[%add3A_384, %dma_wait3A_429] : memref<16384x2048xf32, #tpu.memory_space<hbm>> -> memref<16x2048xf32, #tpu.memory_space<hbm>>
    %dma_wait3A_431 = arith.constant 0 : i32
    %dma_wait3A_432 = tpu.memref_slice %arg3[%add3A_384, %dma_wait3A_431] : memref<16384x2048xf32, #tpu.memory_space<hbm>> -> memref<16x2048xf32, #tpu.memory_space<hbm>>
    tpu.wait_dma2 semaphore(%arg11 : memref<!tpu.dma_semaphore, #tpu.memory_space<semaphore_mem>>) src(%arg5 : memref<16x2048xf32, #tpu.memory_space<vmem>>) dst(%dma_wait3A_432 : memref<16x2048xf32, #tpu.memory_space<hbm>>)
    %add3A_433 = arith.constant 352 : i32
    %add3A_434 = arith.addi %mul3A_2, %add3A_433 : i32
    %dma_start3A_435 = arith.constant 0 : i32
    %dma_start3A_436 = tpu.memref_slice %arg2[%add3A_434, %dma_start3A_435] : memref<16384x2048xf32, #tpu.memory_space<hbm>> -> memref<16x2048xf32, #tpu.memory_space<hbm>>
    %dma_start3A_437 = arith.constant 0 : i32
    %dma_start3A_438 = tpu.memref_slice %arg2[%add3A_434, %dma_start3A_437] : memref<16384x2048xf32, #tpu.memory_space<hbm>> -> memref<16x2048xf32, #tpu.memory_space<hbm>>
    tpu.enqueue_dma source(%dma_start3A_438 : memref<16x2048xf32, #tpu.memory_space<hbm>>) target(%arg5 : memref<16x2048xf32, #tpu.memory_space<vmem>>) target_semaphore(%arg8 : memref<!tpu.dma_semaphore, #tpu.memory_space<semaphore_mem>>)
    %dma_wait3A_439 = arith.constant 0 : i32
    %dma_wait3A_440 = tpu.memref_slice %arg2[%add3A_434, %dma_wait3A_439] : memref<16384x2048xf32, #tpu.memory_space<hbm>> -> memref<16x2048xf32, #tpu.memory_space<hbm>>
    %dma_wait3A_441 = arith.constant 0 : i32
    %dma_wait3A_442 = tpu.memref_slice %arg2[%add3A_434, %dma_wait3A_441] : memref<16384x2048xf32, #tpu.memory_space<hbm>> -> memref<16x2048xf32, #tpu.memory_space<hbm>>
    tpu.wait_dma2 semaphore(%arg8 : memref<!tpu.dma_semaphore, #tpu.memory_space<semaphore_mem>>) src(%dma_wait3A_442 : memref<16x2048xf32, #tpu.memory_space<hbm>>) dst(%arg5 : memref<16x2048xf32, #tpu.memory_space<vmem>>)
    %add3A_443 = arith.constant 352 : i32
    %add3A_444 = arith.addi %mul3A_2, %add3A_443 : i32
    %dma_start3A_445 = arith.constant 0 : i32
    %dma_start3A_446 = tpu.memref_slice %arg3[%add3A_444, %dma_start3A_445] : memref<16384x2048xf32, #tpu.memory_space<hbm>> -> memref<16x2048xf32, #tpu.memory_space<hbm>>
    %dma_start3A_447 = arith.constant 0 : i32
    %dma_start3A_448 = tpu.memref_slice %arg3[%add3A_444, %dma_start3A_447] : memref<16384x2048xf32, #tpu.memory_space<hbm>> -> memref<16x2048xf32, #tpu.memory_space<hbm>>
    tpu.enqueue_dma source(%arg5 : memref<16x2048xf32, #tpu.memory_space<vmem>>) target(%dma_start3A_448 : memref<16x2048xf32, #tpu.memory_space<hbm>>) target_semaphore(%arg11 : memref<!tpu.dma_semaphore, #tpu.memory_space<semaphore_mem>>)
    %dma_wait3A_449 = arith.constant 0 : i32
    %dma_wait3A_450 = tpu.memref_slice %arg3[%add3A_404, %dma_wait3A_449] : memref<16384x2048xf32, #tpu.memory_space<hbm>> -> memref<16x2048xf32, #tpu.memory_space<hbm>>
    %dma_wait3A_451 = arith.constant 0 : i32
    %dma_wait3A_452 = tpu.memref_slice %arg3[%add3A_404, %dma_wait3A_451] : memref<16384x2048xf32, #tpu.memory_space<hbm>> -> memref<16x2048xf32, #tpu.memory_space<hbm>>
    tpu.wait_dma2 semaphore(%arg12 : memref<!tpu.dma_semaphore, #tpu.memory_space<semaphore_mem>>) src(%arg6 : memref<16x2048xf32, #tpu.memory_space<vmem>>) dst(%dma_wait3A_452 : memref<16x2048xf32, #tpu.memory_space<hbm>>)
    %add3A_453 = arith.constant 368 : i32
    %add3A_454 = arith.addi %mul3A_2, %add3A_453 : i32
    %dma_start3A_455 = arith.constant 0 : i32
    %dma_start3A_456 = tpu.memref_slice %arg2[%add3A_454, %dma_start3A_455] : memref<16384x2048xf32, #tpu.memory_space<hbm>> -> memref<16x2048xf32, #tpu.memory_space<hbm>>
    %dma_start3A_457 = arith.constant 0 : i32
    %dma_start3A_458 = tpu.memref_slice %arg2[%add3A_454, %dma_start3A_457] : memref<16384x2048xf32, #tpu.memory_space<hbm>> -> memref<16x2048xf32, #tpu.memory_space<hbm>>
    tpu.enqueue_dma source(%dma_start3A_458 : memref<16x2048xf32, #tpu.memory_space<hbm>>) target(%arg6 : memref<16x2048xf32, #tpu.memory_space<vmem>>) target_semaphore(%arg9 : memref<!tpu.dma_semaphore, #tpu.memory_space<semaphore_mem>>)
    %dma_wait3A_459 = arith.constant 0 : i32
    %dma_wait3A_460 = tpu.memref_slice %arg2[%add3A_454, %dma_wait3A_459] : memref<16384x2048xf32, #tpu.memory_space<hbm>> -> memref<16x2048xf32, #tpu.memory_space<hbm>>
    %dma_wait3A_461 = arith.constant 0 : i32
    %dma_wait3A_462 = tpu.memref_slice %arg2[%add3A_454, %dma_wait3A_461] : memref<16384x2048xf32, #tpu.memory_space<hbm>> -> memref<16x2048xf32, #tpu.memory_space<hbm>>
    tpu.wait_dma2 semaphore(%arg9 : memref<!tpu.dma_semaphore, #tpu.memory_space<semaphore_mem>>) src(%dma_wait3A_462 : memref<16x2048xf32, #tpu.memory_space<hbm>>) dst(%arg6 : memref<16x2048xf32, #tpu.memory_space<vmem>>)
    %add3A_463 = arith.constant 368 : i32
    %add3A_464 = arith.addi %mul3A_2, %add3A_463 : i32
    %dma_start3A_465 = arith.constant 0 : i32
    %dma_start3A_466 = tpu.memref_slice %arg3[%add3A_464, %dma_start3A_465] : memref<16384x2048xf32, #tpu.memory_space<hbm>> -> memref<16x2048xf32, #tpu.memory_space<hbm>>
    %dma_start3A_467 = arith.constant 0 : i32
    %dma_start3A_468 = tpu.memref_slice %arg3[%add3A_464, %dma_start3A_467] : memref<16384x2048xf32, #tpu.memory_space<hbm>> -> memref<16x2048xf32, #tpu.memory_space<hbm>>
    tpu.enqueue_dma source(%arg6 : memref<16x2048xf32, #tpu.memory_space<vmem>>) target(%dma_start3A_468 : memref<16x2048xf32, #tpu.memory_space<hbm>>) target_semaphore(%arg12 : memref<!tpu.dma_semaphore, #tpu.memory_space<semaphore_mem>>)
    %dma_wait3A_469 = arith.constant 0 : i32
    %dma_wait3A_470 = tpu.memref_slice %arg3[%add3A_424, %dma_wait3A_469] : memref<16384x2048xf32, #tpu.memory_space<hbm>> -> memref<16x2048xf32, #tpu.memory_space<hbm>>
    %dma_wait3A_471 = arith.constant 0 : i32
    %dma_wait3A_472 = tpu.memref_slice %arg3[%add3A_424, %dma_wait3A_471] : memref<16384x2048xf32, #tpu.memory_space<hbm>> -> memref<16x2048xf32, #tpu.memory_space<hbm>>
    tpu.wait_dma2 semaphore(%arg10 : memref<!tpu.dma_semaphore, #tpu.memory_space<semaphore_mem>>) src(%arg4 : memref<16x2048xf32, #tpu.memory_space<vmem>>) dst(%dma_wait3A_472 : memref<16x2048xf32, #tpu.memory_space<hbm>>)
    %add3A_473 = arith.constant 384 : i32
    %add3A_474 = arith.addi %mul3A_2, %add3A_473 : i32
    %dma_start3A_475 = arith.constant 0 : i32
    %dma_start3A_476 = tpu.memref_slice %arg2[%add3A_474, %dma_start3A_475] : memref<16384x2048xf32, #tpu.memory_space<hbm>> -> memref<16x2048xf32, #tpu.memory_space<hbm>>
    %dma_start3A_477 = arith.constant 0 : i32
    %dma_start3A_478 = tpu.memref_slice %arg2[%add3A_474, %dma_start3A_477] : memref<16384x2048xf32, #tpu.memory_space<hbm>> -> memref<16x2048xf32, #tpu.memory_space<hbm>>
    tpu.enqueue_dma source(%dma_start3A_478 : memref<16x2048xf32, #tpu.memory_space<hbm>>) target(%arg4 : memref<16x2048xf32, #tpu.memory_space<vmem>>) target_semaphore(%arg7 : memref<!tpu.dma_semaphore, #tpu.memory_space<semaphore_mem>>)
    %dma_wait3A_479 = arith.constant 0 : i32
    %dma_wait3A_480 = tpu.memref_slice %arg2[%add3A_474, %dma_wait3A_479] : memref<16384x2048xf32, #tpu.memory_space<hbm>> -> memref<16x2048xf32, #tpu.memory_space<hbm>>
    %dma_wait3A_481 = arith.constant 0 : i32
    %dma_wait3A_482 = tpu.memref_slice %arg2[%add3A_474, %dma_wait3A_481] : memref<16384x2048xf32, #tpu.memory_space<hbm>> -> memref<16x2048xf32, #tpu.memory_space<hbm>>
    tpu.wait_dma2 semaphore(%arg7 : memref<!tpu.dma_semaphore, #tpu.memory_space<semaphore_mem>>) src(%dma_wait3A_482 : memref<16x2048xf32, #tpu.memory_space<hbm>>) dst(%arg4 : memref<16x2048xf32, #tpu.memory_space<vmem>>)
    %add3A_483 = arith.constant 384 : i32
    %add3A_484 = arith.addi %mul3A_2, %add3A_483 : i32
    %dma_start3A_485 = arith.constant 0 : i32
    %dma_start3A_486 = tpu.memref_slice %arg3[%add3A_484, %dma_start3A_485] : memref<16384x2048xf32, #tpu.memory_space<hbm>> -> memref<16x2048xf32, #tpu.memory_space<hbm>>
    %dma_start3A_487 = arith.constant 0 : i32
    %dma_start3A_488 = tpu.memref_slice %arg3[%add3A_484, %dma_start3A_487] : memref<16384x2048xf32, #tpu.memory_space<hbm>> -> memref<16x2048xf32, #tpu.memory_space<hbm>>
    tpu.enqueue_dma source(%arg4 : memref<16x2048xf32, #tpu.memory_space<vmem>>) target(%dma_start3A_488 : memref<16x2048xf32, #tpu.memory_space<hbm>>) target_semaphore(%arg10 : memref<!tpu.dma_semaphore, #tpu.memory_space<semaphore_mem>>)
    %dma_wait3A_489 = arith.constant 0 : i32
    %dma_wait3A_490 = tpu.memref_slice %arg3[%add3A_444, %dma_wait3A_489] : memref<16384x2048xf32, #tpu.memory_space<hbm>> -> memref<16x2048xf32, #tpu.memory_space<hbm>>
    %dma_wait3A_491 = arith.constant 0 : i32
    %dma_wait3A_492 = tpu.memref_slice %arg3[%add3A_444, %dma_wait3A_491] : memref<16384x2048xf32, #tpu.memory_space<hbm>> -> memref<16x2048xf32, #tpu.memory_space<hbm>>
    tpu.wait_dma2 semaphore(%arg11 : memref<!tpu.dma_semaphore, #tpu.memory_space<semaphore_mem>>) src(%arg5 : memref<16x2048xf32, #tpu.memory_space<vmem>>) dst(%dma_wait3A_492 : memref<16x2048xf32, #tpu.memory_space<hbm>>)
    %add3A_493 = arith.constant 400 : i32
    %add3A_494 = arith.addi %mul3A_2, %add3A_493 : i32
    %dma_start3A_495 = arith.constant 0 : i32
    %dma_start3A_496 = tpu.memref_slice %arg2[%add3A_494, %dma_start3A_495] : memref<16384x2048xf32, #tpu.memory_space<hbm>> -> memref<16x2048xf32, #tpu.memory_space<hbm>>
    %dma_start3A_497 = arith.constant 0 : i32
    %dma_start3A_498 = tpu.memref_slice %arg2[%add3A_494, %dma_start3A_497] : memref<16384x2048xf32, #tpu.memory_space<hbm>> -> memref<16x2048xf32, #tpu.memory_space<hbm>>
    tpu.enqueue_dma source(%dma_start3A_498 : memref<16x2048xf32, #tpu.memory_space<hbm>>) target(%arg5 : memref<16x2048xf32, #tpu.memory_space<vmem>>) target_semaphore(%arg8 : memref<!tpu.dma_semaphore, #tpu.memory_space<semaphore_mem>>)
    %dma_wait3A_499 = arith.constant 0 : i32
    %dma_wait3A_500 = tpu.memref_slice %arg2[%add3A_494, %dma_wait3A_499] : memref<16384x2048xf32, #tpu.memory_space<hbm>> -> memref<16x2048xf32, #tpu.memory_space<hbm>>
    %dma_wait3A_501 = arith.constant 0 : i32
    %dma_wait3A_502 = tpu.memref_slice %arg2[%add3A_494, %dma_wait3A_501] : memref<16384x2048xf32, #tpu.memory_space<hbm>> -> memref<16x2048xf32, #tpu.memory_space<hbm>>
    tpu.wait_dma2 semaphore(%arg8 : memref<!tpu.dma_semaphore, #tpu.memory_space<semaphore_mem>>) src(%dma_wait3A_502 : memref<16x2048xf32, #tpu.memory_space<hbm>>) dst(%arg5 : memref<16x2048xf32, #tpu.memory_space<vmem>>)
    %add3A_503 = arith.constant 400 : i32
    %add3A_504 = arith.addi %mul3A_2, %add3A_503 : i32
    %dma_start3A_505 = arith.constant 0 : i32
    %dma_start3A_506 = tpu.memref_slice %arg3[%add3A_504, %dma_start3A_505] : memref<16384x2048xf32, #tpu.memory_space<hbm>> -> memref<16x2048xf32, #tpu.memory_space<hbm>>
    %dma_start3A_507 = arith.constant 0 : i32
    %dma_start3A_508 = tpu.memref_slice %arg3[%add3A_504, %dma_start3A_507] : memref<16384x2048xf32, #tpu.memory_space<hbm>> -> memref<16x2048xf32, #tpu.memory_space<hbm>>
    tpu.enqueue_dma source(%arg5 : memref<16x2048xf32, #tpu.memory_space<vmem>>) target(%dma_start3A_508 : memref<16x2048xf32, #tpu.memory_space<hbm>>) target_semaphore(%arg11 : memref<!tpu.dma_semaphore, #tpu.memory_space<semaphore_mem>>)
    %dma_wait3A_509 = arith.constant 0 : i32
    %dma_wait3A_510 = tpu.memref_slice %arg3[%add3A_464, %dma_wait3A_509] : memref<16384x2048xf32, #tpu.memory_space<hbm>> -> memref<16x2048xf32, #tpu.memory_space<hbm>>
    %dma_wait3A_511 = arith.constant 0 : i32
    %dma_wait3A_512 = tpu.memref_slice %arg3[%add3A_464, %dma_wait3A_511] : memref<16384x2048xf32, #tpu.memory_space<hbm>> -> memref<16x2048xf32, #tpu.memory_space<hbm>>
    tpu.wait_dma2 semaphore(%arg12 : memref<!tpu.dma_semaphore, #tpu.memory_space<semaphore_mem>>) src(%arg6 : memref<16x2048xf32, #tpu.memory_space<vmem>>) dst(%dma_wait3A_512 : memref<16x2048xf32, #tpu.memory_space<hbm>>)
    %add3A_513 = arith.constant 416 : i32
    %add3A_514 = arith.addi %mul3A_2, %add3A_513 : i32
    %dma_start3A_515 = arith.constant 0 : i32
    %dma_start3A_516 = tpu.memref_slice %arg2[%add3A_514, %dma_start3A_515] : memref<16384x2048xf32, #tpu.memory_space<hbm>> -> memref<16x2048xf32, #tpu.memory_space<hbm>>
    %dma_start3A_517 = arith.constant 0 : i32
    %dma_start3A_518 = tpu.memref_slice %arg2[%add3A_514, %dma_start3A_517] : memref<16384x2048xf32, #tpu.memory_space<hbm>> -> memref<16x2048xf32, #tpu.memory_space<hbm>>
    tpu.enqueue_dma source(%dma_start3A_518 : memref<16x2048xf32, #tpu.memory_space<hbm>>) target(%arg6 : memref<16x2048xf32, #tpu.memory_space<vmem>>) target_semaphore(%arg9 : memref<!tpu.dma_semaphore, #tpu.memory_space<semaphore_mem>>)
    %dma_wait3A_519 = arith.constant 0 : i32
    %dma_wait3A_520 = tpu.memref_slice %arg2[%add3A_514, %dma_wait3A_519] : memref<16384x2048xf32, #tpu.memory_space<hbm>> -> memref<16x2048xf32, #tpu.memory_space<hbm>>
    %dma_wait3A_521 = arith.constant 0 : i32
    %dma_wait3A_522 = tpu.memref_slice %arg2[%add3A_514, %dma_wait3A_521] : memref<16384x2048xf32, #tpu.memory_space<hbm>> -> memref<16x2048xf32, #tpu.memory_space<hbm>>
    tpu.wait_dma2 semaphore(%arg9 : memref<!tpu.dma_semaphore, #tpu.memory_space<semaphore_mem>>) src(%dma_wait3A_522 : memref<16x2048xf32, #tpu.memory_space<hbm>>) dst(%arg6 : memref<16x2048xf32, #tpu.memory_space<vmem>>)
    %add3A_523 = arith.constant 416 : i32
    %add3A_524 = arith.addi %mul3A_2, %add3A_523 : i32
    %dma_start3A_525 = arith.constant 0 : i32
    %dma_start3A_526 = tpu.memref_slice %arg3[%add3A_524, %dma_start3A_525] : memref<16384x2048xf32, #tpu.memory_space<hbm>> -> memref<16x2048xf32, #tpu.memory_space<hbm>>
    %dma_start3A_527 = arith.constant 0 : i32
    %dma_start3A_528 = tpu.memref_slice %arg3[%add3A_524, %dma_start3A_527] : memref<16384x2048xf32, #tpu.memory_space<hbm>> -> memref<16x2048xf32, #tpu.memory_space<hbm>>
    tpu.enqueue_dma source(%arg6 : memref<16x2048xf32, #tpu.memory_space<vmem>>) target(%dma_start3A_528 : memref<16x2048xf32, #tpu.memory_space<hbm>>) target_semaphore(%arg12 : memref<!tpu.dma_semaphore, #tpu.memory_space<semaphore_mem>>)
    %dma_wait3A_529 = arith.constant 0 : i32
    %dma_wait3A_530 = tpu.memref_slice %arg3[%add3A_484, %dma_wait3A_529] : memref<16384x2048xf32, #tpu.memory_space<hbm>> -> memref<16x2048xf32, #tpu.memory_space<hbm>>
    %dma_wait3A_531 = arith.constant 0 : i32
    %dma_wait3A_532 = tpu.memref_slice %arg3[%add3A_484, %dma_wait3A_531] : memref<16384x2048xf32, #tpu.memory_space<hbm>> -> memref<16x2048xf32, #tpu.memory_space<hbm>>
    tpu.wait_dma2 semaphore(%arg10 : memref<!tpu.dma_semaphore, #tpu.memory_space<semaphore_mem>>) src(%arg4 : memref<16x2048xf32, #tpu.memory_space<vmem>>) dst(%dma_wait3A_532 : memref<16x2048xf32, #tpu.memory_space<hbm>>)
    %add3A_533 = arith.constant 432 : i32
    %add3A_534 = arith.addi %mul3A_2, %add3A_533 : i32
    %dma_start3A_535 = arith.constant 0 : i32
    %dma_start3A_536 = tpu.memref_slice %arg2[%add3A_534, %dma_start3A_535] : memref<16384x2048xf32, #tpu.memory_space<hbm>> -> memref<16x2048xf32, #tpu.memory_space<hbm>>
    %dma_start3A_537 = arith.constant 0 : i32
    %dma_start3A_538 = tpu.memref_slice %arg2[%add3A_534, %dma_start3A_537] : memref<16384x2048xf32, #tpu.memory_space<hbm>> -> memref<16x2048xf32, #tpu.memory_space<hbm>>
    tpu.enqueue_dma source(%dma_start3A_538 : memref<16x2048xf32, #tpu.memory_space<hbm>>) target(%arg4 : memref<16x2048xf32, #tpu.memory_space<vmem>>) target_semaphore(%arg7 : memref<!tpu.dma_semaphore, #tpu.memory_space<semaphore_mem>>)
    %dma_wait3A_539 = arith.constant 0 : i32
    %dma_wait3A_540 = tpu.memref_slice %arg2[%add3A_534, %dma_wait3A_539] : memref<16384x2048xf32, #tpu.memory_space<hbm>> -> memref<16x2048xf32, #tpu.memory_space<hbm>>
    %dma_wait3A_541 = arith.constant 0 : i32
    %dma_wait3A_542 = tpu.memref_slice %arg2[%add3A_534, %dma_wait3A_541] : memref<16384x2048xf32, #tpu.memory_space<hbm>> -> memref<16x2048xf32, #tpu.memory_space<hbm>>
    tpu.wait_dma2 semaphore(%arg7 : memref<!tpu.dma_semaphore, #tpu.memory_space<semaphore_mem>>) src(%dma_wait3A_542 : memref<16x2048xf32, #tpu.memory_space<hbm>>) dst(%arg4 : memref<16x2048xf32, #tpu.memory_space<vmem>>)
    %add3A_543 = arith.constant 432 : i32
    %add3A_544 = arith.addi %mul3A_2, %add3A_543 : i32
    %dma_start3A_545 = arith.constant 0 : i32
    %dma_start3A_546 = tpu.memref_slice %arg3[%add3A_544, %dma_start3A_545] : memref<16384x2048xf32, #tpu.memory_space<hbm>> -> memref<16x2048xf32, #tpu.memory_space<hbm>>
    %dma_start3A_547 = arith.constant 0 : i32
    %dma_start3A_548 = tpu.memref_slice %arg3[%add3A_544, %dma_start3A_547] : memref<16384x2048xf32, #tpu.memory_space<hbm>> -> memref<16x2048xf32, #tpu.memory_space<hbm>>
    tpu.enqueue_dma source(%arg4 : memref<16x2048xf32, #tpu.memory_space<vmem>>) target(%dma_start3A_548 : memref<16x2048xf32, #tpu.memory_space<hbm>>) target_semaphore(%arg10 : memref<!tpu.dma_semaphore, #tpu.memory_space<semaphore_mem>>)
    %dma_wait3A_549 = arith.constant 0 : i32
    %dma_wait3A_550 = tpu.memref_slice %arg3[%add3A_504, %dma_wait3A_549] : memref<16384x2048xf32, #tpu.memory_space<hbm>> -> memref<16x2048xf32, #tpu.memory_space<hbm>>
    %dma_wait3A_551 = arith.constant 0 : i32
    %dma_wait3A_552 = tpu.memref_slice %arg3[%add3A_504, %dma_wait3A_551] : memref<16384x2048xf32, #tpu.memory_space<hbm>> -> memref<16x2048xf32, #tpu.memory_space<hbm>>
    tpu.wait_dma2 semaphore(%arg11 : memref<!tpu.dma_semaphore, #tpu.memory_space<semaphore_mem>>) src(%arg5 : memref<16x2048xf32, #tpu.memory_space<vmem>>) dst(%dma_wait3A_552 : memref<16x2048xf32, #tpu.memory_space<hbm>>)
    %add3A_553 = arith.constant 448 : i32
    %add3A_554 = arith.addi %mul3A_2, %add3A_553 : i32
    %dma_start3A_555 = arith.constant 0 : i32
    %dma_start3A_556 = tpu.memref_slice %arg2[%add3A_554, %dma_start3A_555] : memref<16384x2048xf32, #tpu.memory_space<hbm>> -> memref<16x2048xf32, #tpu.memory_space<hbm>>
    %dma_start3A_557 = arith.constant 0 : i32
    %dma_start3A_558 = tpu.memref_slice %arg2[%add3A_554, %dma_start3A_557] : memref<16384x2048xf32, #tpu.memory_space<hbm>> -> memref<16x2048xf32, #tpu.memory_space<hbm>>
    tpu.enqueue_dma source(%dma_start3A_558 : memref<16x2048xf32, #tpu.memory_space<hbm>>) target(%arg5 : memref<16x2048xf32, #tpu.memory_space<vmem>>) target_semaphore(%arg8 : memref<!tpu.dma_semaphore, #tpu.memory_space<semaphore_mem>>)
    %dma_wait3A_559 = arith.constant 0 : i32
    %dma_wait3A_560 = tpu.memref_slice %arg2[%add3A_554, %dma_wait3A_559] : memref<16384x2048xf32, #tpu.memory_space<hbm>> -> memref<16x2048xf32, #tpu.memory_space<hbm>>
    %dma_wait3A_561 = arith.constant 0 : i32
    %dma_wait3A_562 = tpu.memref_slice %arg2[%add3A_554, %dma_wait3A_561] : memref<16384x2048xf32, #tpu.memory_space<hbm>> -> memref<16x2048xf32, #tpu.memory_space<hbm>>
    tpu.wait_dma2 semaphore(%arg8 : memref<!tpu.dma_semaphore, #tpu.memory_space<semaphore_mem>>) src(%dma_wait3A_562 : memref<16x2048xf32, #tpu.memory_space<hbm>>) dst(%arg5 : memref<16x2048xf32, #tpu.memory_space<vmem>>)
    %add3A_563 = arith.constant 448 : i32
    %add3A_564 = arith.addi %mul3A_2, %add3A_563 : i32
    %dma_start3A_565 = arith.constant 0 : i32
    %dma_start3A_566 = tpu.memref_slice %arg3[%add3A_564, %dma_start3A_565] : memref<16384x2048xf32, #tpu.memory_space<hbm>> -> memref<16x2048xf32, #tpu.memory_space<hbm>>
    %dma_start3A_567 = arith.constant 0 : i32
    %dma_start3A_568 = tpu.memref_slice %arg3[%add3A_564, %dma_start3A_567] : memref<16384x2048xf32, #tpu.memory_space<hbm>> -> memref<16x2048xf32, #tpu.memory_space<hbm>>
    tpu.enqueue_dma source(%arg5 : memref<16x2048xf32, #tpu.memory_space<vmem>>) target(%dma_start3A_568 : memref<16x2048xf32, #tpu.memory_space<hbm>>) target_semaphore(%arg11 : memref<!tpu.dma_semaphore, #tpu.memory_space<semaphore_mem>>)
    %dma_wait3A_569 = arith.constant 0 : i32
    %dma_wait3A_570 = tpu.memref_slice %arg3[%add3A_524, %dma_wait3A_569] : memref<16384x2048xf32, #tpu.memory_space<hbm>> -> memref<16x2048xf32, #tpu.memory_space<hbm>>
    %dma_wait3A_571 = arith.constant 0 : i32
    %dma_wait3A_572 = tpu.memref_slice %arg3[%add3A_524, %dma_wait3A_571] : memref<16384x2048xf32, #tpu.memory_space<hbm>> -> memref<16x2048xf32, #tpu.memory_space<hbm>>
    tpu.wait_dma2 semaphore(%arg12 : memref<!tpu.dma_semaphore, #tpu.memory_space<semaphore_mem>>) src(%arg6 : memref<16x2048xf32, #tpu.memory_space<vmem>>) dst(%dma_wait3A_572 : memref<16x2048xf32, #tpu.memory_space<hbm>>)
    %add3A_573 = arith.constant 464 : i32
    %add3A_574 = arith.addi %mul3A_2, %add3A_573 : i32
    %dma_start3A_575 = arith.constant 0 : i32
    %dma_start3A_576 = tpu.memref_slice %arg2[%add3A_574, %dma_start3A_575] : memref<16384x2048xf32, #tpu.memory_space<hbm>> -> memref<16x2048xf32, #tpu.memory_space<hbm>>
    %dma_start3A_577 = arith.constant 0 : i32
    %dma_start3A_578 = tpu.memref_slice %arg2[%add3A_574, %dma_start3A_577] : memref<16384x2048xf32, #tpu.memory_space<hbm>> -> memref<16x2048xf32, #tpu.memory_space<hbm>>
    tpu.enqueue_dma source(%dma_start3A_578 : memref<16x2048xf32, #tpu.memory_space<hbm>>) target(%arg6 : memref<16x2048xf32, #tpu.memory_space<vmem>>) target_semaphore(%arg9 : memref<!tpu.dma_semaphore, #tpu.memory_space<semaphore_mem>>)
    %dma_wait3A_579 = arith.constant 0 : i32
    %dma_wait3A_580 = tpu.memref_slice %arg2[%add3A_574, %dma_wait3A_579] : memref<16384x2048xf32, #tpu.memory_space<hbm>> -> memref<16x2048xf32, #tpu.memory_space<hbm>>
    %dma_wait3A_581 = arith.constant 0 : i32
    %dma_wait3A_582 = tpu.memref_slice %arg2[%add3A_574, %dma_wait3A_581] : memref<16384x2048xf32, #tpu.memory_space<hbm>> -> memref<16x2048xf32, #tpu.memory_space<hbm>>
    tpu.wait_dma2 semaphore(%arg9 : memref<!tpu.dma_semaphore, #tpu.memory_space<semaphore_mem>>) src(%dma_wait3A_582 : memref<16x2048xf32, #tpu.memory_space<hbm>>) dst(%arg6 : memref<16x2048xf32, #tpu.memory_space<vmem>>)
    %add3A_583 = arith.constant 464 : i32
    %add3A_584 = arith.addi %mul3A_2, %add3A_583 : i32
    %dma_start3A_585 = arith.constant 0 : i32
    %dma_start3A_586 = tpu.memref_slice %arg3[%add3A_584, %dma_start3A_585] : memref<16384x2048xf32, #tpu.memory_space<hbm>> -> memref<16x2048xf32, #tpu.memory_space<hbm>>
    %dma_start3A_587 = arith.constant 0 : i32
    %dma_start3A_588 = tpu.memref_slice %arg3[%add3A_584, %dma_start3A_587] : memref<16384x2048xf32, #tpu.memory_space<hbm>> -> memref<16x2048xf32, #tpu.memory_space<hbm>>
    tpu.enqueue_dma source(%arg6 : memref<16x2048xf32, #tpu.memory_space<vmem>>) target(%dma_start3A_588 : memref<16x2048xf32, #tpu.memory_space<hbm>>) target_semaphore(%arg12 : memref<!tpu.dma_semaphore, #tpu.memory_space<semaphore_mem>>)
    %dma_wait3A_589 = arith.constant 0 : i32
    %dma_wait3A_590 = tpu.memref_slice %arg3[%add3A_544, %dma_wait3A_589] : memref<16384x2048xf32, #tpu.memory_space<hbm>> -> memref<16x2048xf32, #tpu.memory_space<hbm>>
    %dma_wait3A_591 = arith.constant 0 : i32
    %dma_wait3A_592 = tpu.memref_slice %arg3[%add3A_544, %dma_wait3A_591] : memref<16384x2048xf32, #tpu.memory_space<hbm>> -> memref<16x2048xf32, #tpu.memory_space<hbm>>
    tpu.wait_dma2 semaphore(%arg10 : memref<!tpu.dma_semaphore, #tpu.memory_space<semaphore_mem>>) src(%arg4 : memref<16x2048xf32, #tpu.memory_space<vmem>>) dst(%dma_wait3A_592 : memref<16x2048xf32, #tpu.memory_space<hbm>>)
    %add3A_593 = arith.constant 480 : i32
    %add3A_594 = arith.addi %mul3A_2, %add3A_593 : i32
    %dma_start3A_595 = arith.constant 0 : i32
    %dma_start3A_596 = tpu.memref_slice %arg2[%add3A_594, %dma_start3A_595] : memref<16384x2048xf32, #tpu.memory_space<hbm>> -> memref<16x2048xf32, #tpu.memory_space<hbm>>
    %dma_start3A_597 = arith.constant 0 : i32
    %dma_start3A_598 = tpu.memref_slice %arg2[%add3A_594, %dma_start3A_597] : memref<16384x2048xf32, #tpu.memory_space<hbm>> -> memref<16x2048xf32, #tpu.memory_space<hbm>>
    tpu.enqueue_dma source(%dma_start3A_598 : memref<16x2048xf32, #tpu.memory_space<hbm>>) target(%arg4 : memref<16x2048xf32, #tpu.memory_space<vmem>>) target_semaphore(%arg7 : memref<!tpu.dma_semaphore, #tpu.memory_space<semaphore_mem>>)
    %dma_wait3A_599 = arith.constant 0 : i32
    %dma_wait3A_600 = tpu.memref_slice %arg2[%add3A_594, %dma_wait3A_599] : memref<16384x2048xf32, #tpu.memory_space<hbm>> -> memref<16x2048xf32, #tpu.memory_space<hbm>>
    %dma_wait3A_601 = arith.constant 0 : i32
    %dma_wait3A_602 = tpu.memref_slice %arg2[%add3A_594, %dma_wait3A_601] : memref<16384x2048xf32, #tpu.memory_space<hbm>> -> memref<16x2048xf32, #tpu.memory_space<hbm>>
    tpu.wait_dma2 semaphore(%arg7 : memref<!tpu.dma_semaphore, #tpu.memory_space<semaphore_mem>>) src(%dma_wait3A_602 : memref<16x2048xf32, #tpu.memory_space<hbm>>) dst(%arg4 : memref<16x2048xf32, #tpu.memory_space<vmem>>)
    %add3A_603 = arith.constant 480 : i32
    %add3A_604 = arith.addi %mul3A_2, %add3A_603 : i32
    %dma_start3A_605 = arith.constant 0 : i32
    %dma_start3A_606 = tpu.memref_slice %arg3[%add3A_604, %dma_start3A_605] : memref<16384x2048xf32, #tpu.memory_space<hbm>> -> memref<16x2048xf32, #tpu.memory_space<hbm>>
    %dma_start3A_607 = arith.constant 0 : i32
    %dma_start3A_608 = tpu.memref_slice %arg3[%add3A_604, %dma_start3A_607] : memref<16384x2048xf32, #tpu.memory_space<hbm>> -> memref<16x2048xf32, #tpu.memory_space<hbm>>
    tpu.enqueue_dma source(%arg4 : memref<16x2048xf32, #tpu.memory_space<vmem>>) target(%dma_start3A_608 : memref<16x2048xf32, #tpu.memory_space<hbm>>) target_semaphore(%arg10 : memref<!tpu.dma_semaphore, #tpu.memory_space<semaphore_mem>>)
    %dma_wait3A_609 = arith.constant 0 : i32
    %dma_wait3A_610 = tpu.memref_slice %arg3[%add3A_564, %dma_wait3A_609] : memref<16384x2048xf32, #tpu.memory_space<hbm>> -> memref<16x2048xf32, #tpu.memory_space<hbm>>
    %dma_wait3A_611 = arith.constant 0 : i32
    %dma_wait3A_612 = tpu.memref_slice %arg3[%add3A_564, %dma_wait3A_611] : memref<16384x2048xf32, #tpu.memory_space<hbm>> -> memref<16x2048xf32, #tpu.memory_space<hbm>>
    tpu.wait_dma2 semaphore(%arg11 : memref<!tpu.dma_semaphore, #tpu.memory_space<semaphore_mem>>) src(%arg5 : memref<16x2048xf32, #tpu.memory_space<vmem>>) dst(%dma_wait3A_612 : memref<16x2048xf32, #tpu.memory_space<hbm>>)
    %add3A_613 = arith.constant 496 : i32
    %add3A_614 = arith.addi %mul3A_2, %add3A_613 : i32
    %dma_start3A_615 = arith.constant 0 : i32
    %dma_start3A_616 = tpu.memref_slice %arg2[%add3A_614, %dma_start3A_615] : memref<16384x2048xf32, #tpu.memory_space<hbm>> -> memref<16x2048xf32, #tpu.memory_space<hbm>>
    %dma_start3A_617 = arith.constant 0 : i32
    %dma_start3A_618 = tpu.memref_slice %arg2[%add3A_614, %dma_start3A_617] : memref<16384x2048xf32, #tpu.memory_space<hbm>> -> memref<16x2048xf32, #tpu.memory_space<hbm>>
    tpu.enqueue_dma source(%dma_start3A_618 : memref<16x2048xf32, #tpu.memory_space<hbm>>) target(%arg5 : memref<16x2048xf32, #tpu.memory_space<vmem>>) target_semaphore(%arg8 : memref<!tpu.dma_semaphore, #tpu.memory_space<semaphore_mem>>)
    %dma_wait3A_619 = arith.constant 0 : i32
    %dma_wait3A_620 = tpu.memref_slice %arg2[%add3A_614, %dma_wait3A_619] : memref<16384x2048xf32, #tpu.memory_space<hbm>> -> memref<16x2048xf32, #tpu.memory_space<hbm>>
    %dma_wait3A_621 = arith.constant 0 : i32
    %dma_wait3A_622 = tpu.memref_slice %arg2[%add3A_614, %dma_wait3A_621] : memref<16384x2048xf32, #tpu.memory_space<hbm>> -> memref<16x2048xf32, #tpu.memory_space<hbm>>
    tpu.wait_dma2 semaphore(%arg8 : memref<!tpu.dma_semaphore, #tpu.memory_space<semaphore_mem>>) src(%dma_wait3A_622 : memref<16x2048xf32, #tpu.memory_space<hbm>>) dst(%arg5 : memref<16x2048xf32, #tpu.memory_space<vmem>>)
    %add3A_623 = arith.constant 496 : i32
    %add3A_624 = arith.addi %mul3A_2, %add3A_623 : i32
    %dma_start3A_625 = arith.constant 0 : i32
    %dma_start3A_626 = tpu.memref_slice %arg3[%add3A_624, %dma_start3A_625] : memref<16384x2048xf32, #tpu.memory_space<hbm>> -> memref<16x2048xf32, #tpu.memory_space<hbm>>
    %dma_start3A_627 = arith.constant 0 : i32
    %dma_start3A_628 = tpu.memref_slice %arg3[%add3A_624, %dma_start3A_627] : memref<16384x2048xf32, #tpu.memory_space<hbm>> -> memref<16x2048xf32, #tpu.memory_space<hbm>>
    tpu.enqueue_dma source(%arg5 : memref<16x2048xf32, #tpu.memory_space<vmem>>) target(%dma_start3A_628 : memref<16x2048xf32, #tpu.memory_space<hbm>>) target_semaphore(%arg11 : memref<!tpu.dma_semaphore, #tpu.memory_space<semaphore_mem>>)
    %dma_wait3A_629 = arith.constant 0 : i32
    %dma_wait3A_630 = tpu.memref_slice %arg3[%add3A_584, %dma_wait3A_629] : memref<16384x2048xf32, #tpu.memory_space<hbm>> -> memref<16x2048xf32, #tpu.memory_space<hbm>>
    %dma_wait3A_631 = arith.constant 0 : i32
    %dma_wait3A_632 = tpu.memref_slice %arg3[%add3A_584, %dma_wait3A_631] : memref<16384x2048xf32, #tpu.memory_space<hbm>> -> memref<16x2048xf32, #tpu.memory_space<hbm>>
    tpu.wait_dma2 semaphore(%arg12 : memref<!tpu.dma_semaphore, #tpu.memory_space<semaphore_mem>>) src(%arg6 : memref<16x2048xf32, #tpu.memory_space<vmem>>) dst(%dma_wait3A_632 : memref<16x2048xf32, #tpu.memory_space<hbm>>)
    %dma_wait3A_633 = arith.constant 0 : i32
    %dma_wait3A_634 = tpu.memref_slice %arg3[%add3A_604, %dma_wait3A_633] : memref<16384x2048xf32, #tpu.memory_space<hbm>> -> memref<16x2048xf32, #tpu.memory_space<hbm>>
    %dma_wait3A_635 = arith.constant 0 : i32
    %dma_wait3A_636 = tpu.memref_slice %arg3[%add3A_604, %dma_wait3A_635] : memref<16384x2048xf32, #tpu.memory_space<hbm>> -> memref<16x2048xf32, #tpu.memory_space<hbm>>
    tpu.wait_dma2 semaphore(%arg10 : memref<!tpu.dma_semaphore, #tpu.memory_space<semaphore_mem>>) src(%arg4 : memref<16x2048xf32, #tpu.memory_space<vmem>>) dst(%dma_wait3A_636 : memref<16x2048xf32, #tpu.memory_space<hbm>>)
    %dma_wait3A_637 = arith.constant 0 : i32
    %dma_wait3A_638 = tpu.memref_slice %arg3[%add3A_624, %dma_wait3A_637] : memref<16384x2048xf32, #tpu.memory_space<hbm>> -> memref<16x2048xf32, #tpu.memory_space<hbm>>
    %dma_wait3A_639 = arith.constant 0 : i32
    %dma_wait3A_640 = tpu.memref_slice %arg3[%add3A_624, %dma_wait3A_639] : memref<16384x2048xf32, #tpu.memory_space<hbm>> -> memref<16x2048xf32, #tpu.memory_space<hbm>>
    tpu.wait_dma2 semaphore(%arg11 : memref<!tpu.dma_semaphore, #tpu.memory_space<semaphore_mem>>) src(%arg5 : memref<16x2048xf32, #tpu.memory_space<vmem>>) dst(%dma_wait3A_640 : memref<16x2048xf32, #tpu.memory_space<hbm>>)
    return
  }
}

</mosaic_0001>

<sc_bundles>
// kernel: kernel.3.cloned.1.call-start
scs
__scs_entry_jumppad:
0x0: {  	(pc) =	sbr.rel $0x88, $3  }
0x1: {  	(tag) =	ssettag $0x0;
	lr =	simm.s32 $0x1  }
0x2: {  	[smem:$0x3FA0] =	sst lr;
	_ =	strace $0xD0000000  }
0x3: {  	_ = 	snop  }
0x4: {  	_ = 	snop  }
0x5: {  	_ = 	snop  }
0x6: {  	_ = 	snop  }
0x7: {  	_ = 	snop  }
__scs_overlays_trampoline_lowered:
0x8: {  	[smem:$0x3FAF] =	sst s0  }
0x9: {  	[smem:$0x3FB0] =	sst s1  }
0xa: {  	[smem:$0x3FB1] =	sst s2  }
0xb: {  	[smem:$0x3FB2] =	sst s3  }
0xc: {  	[smem:$0x3FB3] =	sst s4  }
0xd: {  	[smem:$0x3FB4] =	sst s5  }
0xe: {  	[smem:$0x3FB5] =	sst s6  }
0xf: {  	[smem:$0x3FB6] =	sst s7  }
0x10: {  	[smem:$0x3FB7] =	sst s8  }
0x11: {  	[smem:$0x3FB8] =	sst s9;
	s0 =	simm.s32 @!p0 $0x0  }
0x12: {  	s1 =	sld [smem:$0x3F9E];
	s0 =	simm.s32 @p0 $0x1  }
0x13: {  	[smem:$0x3FB9] =	sst s0;
	s0 =	simm.s32 @!p1 $0x0  }
0x14: {  	s2 =	sld [smem:$0x3F9D];
	s0 =	simm.s32 @p1 $0x1  }
0x15: {  	[smem:$0x3FBA] =	sst s0;
	s0 =	simm.s32 @!p2 $0x0  }
0x16: {  	s3 =	sld [smem:$0x3FDB];
	s0 =	simm.s32 @p2 $0x1  }
0x17: {  	s4 =	simm.s32 $0x1BF5;
	[smem:$0x3FBC] =	sst s0  }
0x18: {  	s0 =	sld [smem:$0x3F9F];
	_ =	swait.ge [sflag:s4], $0x0  }
0x19: {  	s7 =	sld [smem:$0x3FA0]  }
0x1a: {  	s8 =	sadd.s32 $0xFFFFE003, lr  }
0x1b: {  	s9 =	sadd.s32 $0xFFFFFEF7, lr;
	s5 =	simm.s32 $0xFFFFFFFF;
	p2 =	slt.u32 s8, $0xFFFFF086  }
0x1c: {  	p1 =	slt.u32 s9, $0xF7A;
	s5 =	simm.s32 @!p2 $0x0  }
0x1d: {  	s5 =	simm.s32 @p1 $0x1;
	p0 =	seq.s32 s7, s2  }
0x1e: {  	s7 =	smul.u32 @!p0 $0xF7A, s2;
	p2 =	seq.s32 @!p0 s5, $0x0  }
0x1f: {  	s9 =	smul.u32 $0xF7A, s1;
	s8 =	simm.s32 @!p0 $0x1BF5;
	p2 =	por !p2, p0  }
0x20: {  	[sflag:s8] =	ssyncset.s32 @!p0 $0xFFFFF086;
	s6 =	sadd.s32 @!p0 s3, s7;
	s7 =	simm.s32 @!p0 $0x108  }
0x21: {  	s3 =	sadd.s32 s3, s9;
	s6 =	sadd.s32 @!p0 $0x88, s6;
	s7 =	simm.s32 @p2 $0x1082  }
0x22: {  	[simem:s7], [sflag:s8] =	dma.local @!p0 [hbm:s6], $0xF7A  }
0x23: {  	s9 =	sor.u32 $0xD0000000, s2;
	s6 =	simm.s32 $0x108;
	_ =	swait.ge @!p0 [sflag:s8], $0x0  }
0x24: {  	s3 =	sadd.s32 $0x88, s3;
	s6 =	simm.s32 @!p1 $0x1082;
	[sflag:s4] =	ssyncset.s32 $0xFFFFF086  }
0x25: {  	[simem:s6], [sflag:s4] =	dma.local [hbm:s3], $0xF7A  }
0x26: {  	[smem:$0x3FA0] =	sst s1;
	(tag) =	ssettag s2;
	_ =	strace s9  }
0x27: {  	s1 =	sld [smem:$0x3FB0]  }
0x28: {  	s2 =	sld [smem:$0x3FB1]  }
0x29: {  	s4 =	sld [smem:$0x3FB3]  }
0x2a: {  	p0 =	seq.s32 s5, $0x0;
	s5 =	sld [smem:$0x3FB4]  }
0x2b: {  	s6 =	sld [smem:$0x3FB5]  }
0x2c: {  	s7 =	sld [smem:$0x3FB6]  }
0x2d: {  	s3 =	simm.s32 $0x108;
	s8 =	sld [smem:$0x3FB7]  }
0x2e: {  	s3 =	simm.s32 @!p0 $0x1082;
	s9 =	sld [smem:$0x3FB8]  }
0x2f: {  	lr =	sadd.s32 s0, s3;
	s0 =	sld [smem:$0x3FAF]  }
0x30: {  	s3 =	sld [smem:$0x3FB2]  }
0x31: {  	[smem:$0x3FBB] =	sst s10  }
0x32: {  	s10 =	sld [smem:$0x3FB9];
	_ =	sdelay $0x3  }
0x33: {  	p0 =	seq.s32 s10, $0x1;
	s10 =	sld [smem:$0x3FBB];
	_ =	sdelay $0x3  }
0x34: {  	[smem:$0x3FBB] =	sst s10  }
0x35: {  	s10 =	sld [smem:$0x3FBA];
	_ =	sdelay $0x3  }
0x36: {  	p1 =	seq.s32 s10, $0x1;
	s10 =	sld [smem:$0x3FBB];
	_ =	sdelay $0x3  }
0x37: {  	[smem:$0x3FBB] =	sst s10  }
0x38: {  	s10 =	sld [smem:$0x3FBC]  }
0x39: {  	_ = 	snop;
	(pc) =	sbr.ind lr, $3  }
0x3a: {  	_ = 	snop  }
0x3b: {  	_ = 	snop  }
0x3c: {  	p2 =	seq.s32 s10, $0x1;
	s10 =	sld [smem:$0x3FBB]  }
0x3d: {  	_ =	shalt  }
0x3e: {  	_ =	shalt  }
0x3f: {  	_ =	shalt  }
0x40: {  	_ =	shalt  }
0x41: {  	_ =	shalt  }
0x42: {  	_ =	shalt  }
0x43: {  	_ =	shalt  }
0x44: {  	_ =	shalt  }
0x45: {  	_ =	shalt  }
0x46: {  	_ =	shalt  }
0x47: {  	_ =	shalt  }
0x48: {  	_ =	shalt  }
0x49: {  	_ =	shalt  }
0x4a: {  	_ =	shalt  }
0x4b: {  	_ =	shalt  }
0x4c: {  	_ =	shalt  }
0x4d: {  	_ =	shalt  }
0x4e: {  	_ =	shalt  }
0x4f: {  	_ =	shalt  }
0x50: {  	_ =	shalt  }
0x51: {  	_ =	shalt  }
0x52: {  	_ =	shalt  }
0x53: {  	_ =	shalt  }
0x54: {  	_ =	shalt  }
0x55: {  	_ =	shalt  }
0x56: {  	_ =	shalt  }
0x57: {  	_ =	shalt  }
0x58: {  	_ =	shalt  }
0x59: {  	_ =	shalt  }
0x5a: {  	_ =	shalt  }
0x5b: {  	_ =	shalt  }
0x5c: {  	_ =	shalt  }
0x5d: {  	_ =	shalt  }
0x5e: {  	_ =	shalt  }
0x5f: {  	_ =	shalt  }
0x60: {  	_ =	shalt  }
0x61: {  	_ =	shalt  }
0x62: {  	_ =	shalt  }
0x63: {  	_ =	shalt  }
0x64: {  	_ =	shalt  }
0x65: {  	_ =	shalt  }
0x66: {  	_ =	shalt  }
0x67: {  	_ =	shalt  }
0x68: {  	_ =	shalt  }
0x69: {  	_ =	shalt  }
0x6a: {  	_ =	shalt  }
0x6b: {  	_ =	shalt  }
0x6c: {  	_ =	shalt  }
0x6d: {  	_ =	shalt  }
0x6e: {  	_ =	shalt  }
0x6f: {  	_ =	shalt  }
0x70: {  	_ =	shalt  }
0x71: {  	_ =	shalt  }
0x72: {  	_ =	shalt  }
0x73: {  	_ =	shalt  }
0x74: {  	_ =	shalt  }
0x75: {  	_ =	shalt  }
0x76: {  	_ =	shalt  }
0x77: {  	_ =	shalt  }
0x78: {  	_ =	shalt  }
0x79: {  	_ =	shalt  }
0x7a: {  	_ =	shalt  }
0x7b: {  	_ =	shalt  }
0x7c: {  	_ =	shalt  }
0x7d: {  	_ =	shalt  }
0x7e: {  	_ =	shalt  }
0x7f: {  	_ =	shalt  }
0x80: {  	_ =	shalt  }
0x81: {  	_ =	shalt  }
0x82: {  	_ =	shalt  }
0x83: {  	_ =	shalt  }
0x84: {  	_ =	shalt  }
0x85: {  	_ =	shalt  }
0x86: {  	_ =	shalt  }
0x87: {  	_ =	shalt  }
.Lfunc_end0:
.L_simem_size_0:
called_computation_lowered:
.L_overlay_start_0:
0x88: {  	s2 =	sld [smem:$0x3FD9]  }
0x89: {  	s3 =	sld [smem:$0x3FFE];
	_ =	sdelay $0x1  }
0x8a: {  	s1 =	srdreg.scid  }
0x8b: {  	s0 =	sand.u32 $0x1, s1  }
0x8c: {  	s18 =	sshll.u32 s0, $0xA;
	s2 =	sadd.s32 s3, s2  }
0x8d: {  	s2 =	sadd.s32 s2, s18  }
0x8e: {  	[smem:$0x3FC7] =	sst s2  }
0x8f: {  	_ = 	snop  }
0x90: {  	s2 =	sld [smem:$0x3FC9]  }
0x91: {  	s19 =	sld [smem:$0x3FD0];
	(tm) =	ssettm $0x1  }
0x92: {  	s4 =	sld [smem:$0x3FFB];
	_ =	sdelay $0x3  }
0x93: {  	_ =	strace s4  }
0x94: {  	s4 =	sld [smem:$0x3FFC];
	_ =	sdelay $0x3  }
0x95: {  	_ =	strace s4  }
0x96: {  	s4 =	sld [smem:$0x3FFD];
	_ =	sdelay $0x3  }
0x97: {  	_ =	strace s4  }
0x98: {  	_ =	strace $0x8FFFFFFF  }
0x99: {  	s20 =	sld [smem:$0x3FDB];
	_ =	sdelay $0x1  }
0x9a: {  	s5 =	simm.s32 $_scs_section_size  }
0x9b: {  	s6 =	simm.s32 $_size__tile_overlayer_lowered;
	s7 =	simm.s32 $_tile_overlayer_lowered  }
0x9c: {  	s23 =	simm.s32 $0x1BFF;
	s22 =	sshll.u32 s7, $0x1;
	s4 =	sadd.s32 s5, s20  }
0x9d: {  	s8 =	simm.s32 $0x0;
	s21 =	sshll.u32 s6, $0x1;
	s6 =	sadd.s32 s22, s4  }
0x9e: {  	[timem:s8], [sflag:s23] =	dma.local [hbm:s6], s21  }
0x9f: {  	_ =	swait.ge [sflag:s23], s21  }
0xa0: {  	s5 =	ssub.s32 $0x0, s21;
	[sflag:s23] =	ssyncset.done $0x0  }
0xa1: {  	[sflag:s23] =	ssyncadd.s32 s5;
	_ =	sdelay $0x1  }
0xa2: {  	s24 =	simm.s32 $0x1B8B  }
0xa3: {  	_ =	swait.ge [sflag:s24], $0x1  }
0xa4: {  	[sflag:s24] =	ssyncset.done $0x0  }
0xa5: {  	s25 =	simm.s32 $0x1B8E;
	[sflag:s24] =	ssyncadd.s32 $0xFFFFFFFF  }
0xa6: {  	s26 =	simm.s32 $execute0_lowered;
	[smem:$0x3FD2] =	sst s25  }
0xa7: {  	s5 =	sshll.u32 s26, $0x1;
	_ =	strace $0x80000046;
	[dreg:$0x1] =	wrdreg $0xFFFFFFFF  }
0xa8: {  	s28 =	simm.s32 $_size_execute0_lowered;
	s4 =	sadd.s32 s4, s5;
	[dreg:$0x0] =	wrdreg $0x0  }
0xa9: {  	s5 =	sshll.u32 s28, $0x1;
	[dreg:$0x2] =	wrdreg s4  }
0xaa: {  	[dreg:$0x3] =	wrdreg s5  }
0xab: {  	[dreg:$0x4] =	wrdreg $0xC0  }
0xac: {  	_ =	task [dreg:s8], $0x5FFFF  }
0xad: {  	[dreg:$0x1] =	wrdreg $0xFFFFFFFF  }
0xae: {  	[dreg:$0x0] =	wrdreg $0x60  }
0xaf: {  	[dreg:$0x2] =	wrdreg s2  }
0xb0: {  	[dreg:$0x3] =	wrdreg s19  }
0xb1: {  	[dreg:$0x4] =	wrdreg $0x9  }
0xb2: {  	_ =	task.clear_ibuf [dreg:s8], $0x5FFFF;
	_ =	strace $0x90000046  }
0xb3: {  	s29 =	simm.s32 $0x9;
	_ =	strace $0x80000048  }
0xb4: {  	_ =	swait.ge [sflag:s29], $0x1  }
0xb5: {  	[sflag:s29] =	ssyncadd.s32 $0xFFFFFFFF  }
0xb6: {  	_ =	strace $0x90000048  }
0xb7: {  	_ =	sfence  }
0xb8: {  	s30 =	sld [smem:$0x0];
	_ =	sdelay $0x2  }
0xb9: {  	s31 =	sshll.u32 s1, $0xD;
	s1 =	sshrl.u32 s1, $0x2  }
0xba: {  	s3 =	sand.u32 $0x4000, s31;
	s1 =	sadd.s32 s1, s30  }
0xbb: {  	s0 =	sor.u32 s3, s0;
	s1 =	sshll.u32 s1, $0x11  }
0xbc: {  	s0 =	sor.u32 s1, s0  }
0xbd: {  	s0 =	sadd.s32 $0x8F2B, s0  }
0xbe: {  	[sflag:s0] =	ssyncadd.remote.s32 $0x1  }
0xbf: {  	_ =	sfence.sel $0xFFFF  }
0xc0: {  	[dreg:$0x0] =	wrdreg $0xFFFFFFFF;
	(pc) =	sbr.abs _section_cstart, $3  }
0xc1: {  	[dreg:$0x1] =	wrdreg $0xFFFFFFFF  }
0xc2: {  	_ =	task.clear_ibuf [dreg:s8], $0x2FFFF;
	_ =	strace $0x9FFFFFFF  }
0xc3: {  	(tm) =	ssettm $0x7FFFFFFF  }
tec
execute0_lowered:
.L_overlay_start_1:
0x0: {  	(tag) =	ssettag $0x1  }
0x1: {  	s1 =	srdreg.scid  }
0x2: {  	s0 =	rddreg [dreg:$0x0];
	s4 =	stileid.u32;
	s5 =	sand.u32 $0x1, s1  }
0x3: {  	s2 =	simm.s32 $0x0;
	s17 =	sshll.u32 s4, $0x12;
	s18 =	sshll.u32 s5, $0x11  }
0x4: {  	[smem:$0x7FF] =	sst s2;
	s4 =	sor.u32 s18, s17  }
0x5: {  	s3 =	rddreg [dreg:$0x1];
	_ =	strace $0x80000047;
	s1 =	sadd.s32 s0, s4  }
0x6: {  	s19 =	sadd.s32 s3, s4;
	s6 =	sor.u32 $0x1000, s4;
	[dreg:$0x3] =	wrdreg s1  }
0x7: {  	[dreg:$0x4] =	wrdreg s19;
	s20 =	sadd.s32 s0, s6  }
0x8: {  	s22 =	sor.u32 $0x2000, s4;
	s21 =	sadd.s32 s3, s6;
	[dreg:$0x5] =	wrdreg s20  }
0x9: {  	s23 =	sadd.s32 s0, s22;
	[dreg:$0x6] =	wrdreg s21  }
0xa: {  	s25 =	sor.u32 $0x3000, s4;
	s24 =	sadd.s32 s3, s22;
	[dreg:$0x7] =	wrdreg s23  }
0xb: {  	s26 =	sadd.s32 s0, s25;
	[dreg:$0x8] =	wrdreg s24  }
0xc: {  	s7 =	sor.u32 $0x4000, s4;
	s6 =	sadd.s32 s3, s25;
	[dreg:$0x9] =	wrdreg s26  }
0xd: {  	s8 =	sadd.s32 s0, s7;
	[dreg:$0xa] =	wrdreg s6  }
0xe: {  	s10 =	sor.u32 $0x5000, s4;
	s9 =	sadd.s32 s3, s7;
	[dreg:$0xb] =	wrdreg s8  }
0xf: {  	s11 =	sadd.s32 s0, s10;
	[dreg:$0xc] =	wrdreg s9  }
0x10: {  	s13 =	sor.u32 $0x6000, s4;
	s12 =	sadd.s32 s3, s10;
	[dreg:$0xd] =	wrdreg s11  }
0x11: {  	s14 =	sadd.s32 s0, s13;
	[dreg:$0xe] =	wrdreg s12  }
0x12: {  	s16 =	sor.u32 $0x7000, s4;
	s15 =	sadd.s32 s3, s13;
	[dreg:$0xf] =	wrdreg s14  }
0x13: {  	s17 =	sadd.s32 s0, s16;
	[dreg:$0x10] =	wrdreg s15  }
0x14: {  	s18 =	sadd.s32 s3, s16;
	[dreg:$0x11] =	wrdreg s17  }
0x15: {  	s19 =	sor.u32 $0x8000, s4;
	[dreg:$0x12] =	wrdreg s18  }
0x16: {  	s20 =	sadd.s32 s0, s19;
	s1 =	rddreg [dreg:$0x3]  }
0x17: {  	s22 =	sor.u32 $0x9000, s4;
	s21 =	sadd.s32 s3, s19;
	[dreg:$0x13] =	wrdreg s20  }
0x18: {  	s23 =	sadd.s32 s0, s22;
	[dreg:$0x14] =	wrdreg s21  }
0x19: {  	s25 =	sor.u32 $0xA000, s4;
	s24 =	sadd.s32 s3, s22;
	[dreg:$0x15] =	wrdreg s23  }
0x1a: {  	s26 =	sadd.s32 s0, s25;
	[dreg:$0x16] =	wrdreg s24  }
0x1b: {  	s7 =	sadd.s32 s3, s25;
	s8 =	sor.u32 $0xB000, s4;
	[dreg:$0x17] =	wrdreg s26  }
0x1c: {  	[dreg:$0x18] =	wrdreg s7;
	s9 =	sadd.s32 s0, s8  }
0x1d: {  	s11 =	sor.u32 $0xC000, s4;
	s10 =	sadd.s32 s3, s8;
	[dreg:$0x19] =	wrdreg s9  }
0x1e: {  	p0 =	por $0x0, $0x0;
	s12 =	sadd.s32 s0, s11;
	[dreg:$0x1a] =	wrdreg s10  }
0x1f: {  	s14 =	sor.u32 $0xD000, s4;
	s13 =	sadd.s32 s3, s11;
	[dreg:$0x1b] =	wrdreg s12  }
0x20: {  	s5 =	ssub.s32 $0x2, s5;
	s15 =	sadd.s32 s0, s14;
	[dreg:$0x1c] =	wrdreg s13  }
0x21: {  	s17 =	sor.u32 $0xE000, s4;
	s16 =	sadd.s32 s3, s14;
	[dreg:$0x1d] =	wrdreg s15  }
0x22: {  	s6 =	simm.s32 $0x8000;
	s18 =	sadd.s32 s0, s17;
	[dreg:$0x1e] =	wrdreg s16  }
0x23: {  	s19 =	sadd.s32 s3, s17;
	s20 =	sor.u32 $0xF000, s4;
	[dreg:$0x1f] =	wrdreg s18  }
0x24: {  	s23 =	sor.u32 $0x10000, s4;
	[smem:$0x7EF] =	sst s19;
	s21 =	sadd.s32 s0, s20  }
0x25: {  	s26 =	sor.u32 $0x11000, s4;
	s22 =	sadd.s32 s3, s20;
	[smem:$0x7F0] =	sst s21  }
0x26: {  	s24 =	sadd.s32 s0, s23;
	s25 =	sadd.s32 s3, s23;
	[smem:$0x7F1] =	sst s22  }
0x27: {  	s7 =	sadd.s32 s0, s26;
	s8 =	sadd.s32 s3, s26;
	[smem:$0x7F2] =	sst s24  }
0x28: {  	s9 =	sor.u32 $0x12000, s4;
	s12 =	sor.u32 $0x13000, s4;
	[smem:$0x7F3] =	sst s25  }
0x29: {  	s15 =	sor.u32 $0x14000, s4;
	s18 =	sor.u32 $0x15000, s4;
	[smem:$0x7F4] =	sst s7  }
0x2a: {  	s26 =	sor.u32 $0x16000, s4;
	[smem:$0x7F5] =	sst s8;
	s10 =	sadd.s32 s0, s9  }
0x2b: {  	s11 =	sadd.s32 s3, s9;
	s13 =	sadd.s32 s0, s12;
	[smem:$0x7F6] =	sst s10  }
0x2c: {  	s14 =	sadd.s32 s3, s12;
	s16 =	sadd.s32 s0, s15;
	[smem:$0x7F7] =	sst s11  }
0x2d: {  	s17 =	sadd.s32 s3, s15;
	s19 =	sadd.s32 s0, s18;
	[smem:$0x7F8] =	sst s13  }
0x2e: {  	s7 =	sshrl.u32 s5, $0x1;
	s20 =	sadd.s32 s3, s18;
	[smem:$0x7F9] =	sst s14  }
0x2f: {  	s31 =	sadd.s32 s0, s26;
	s30 =	sadd.s32 s3, s26;
	[smem:$0x7FA] =	sst s16  }
0x30: {  	s8 =	sor.u32 $0x19000, s4;
	s9 =	sor.u32 $0x1A000, s4;
	[smem:$0x7FB] =	sst s17  }
0x31: {  	s12 =	sor.u32 $0x1D000, s4;
	[smem:$0x7FC] =	sst s19;
	s21 =	ssub.s32 s5, s7  }
0x32: {  	[smem:$0x7FD] =	sst s20;
	s5 =	sor.u32 $0x17000, s4;
	s7 =	sor.u32 $0x18000, s4  }
0x33: {  	s24 =	sadd.s32 s0, s8;
	s23 =	sadd.s32 s3, s8;
	s22 =	sadd.s32 s0, s9  }
0x34: {  	s20 =	sadd.s32 s3, s9;
	s10 =	sor.u32 $0x1B000, s4;
	s11 =	sor.u32 $0x1C000, s4  }
0x35: {  	s14 =	sadd.s32 s0, s12;
	s12 =	sadd.s32 s3, s12;
	s13 =	sor.u32 $0x1E000, s4  }
0x36: {  	s19 =	sor.u32 $0x1F000, s4;
	s4 =	simm.s32 $0x5;
	s29 =	sadd.s32 s0, s5  }
0x37: {  	s28 =	sadd.s32 s3, s5;
	s26 =	sadd.s32 s0, s7;
	s21 =	smax.u32 s21, $0x1  }
0x38: {  	s25 =	sadd.s32 s3, s7;
	s18 =	sadd.s32 s0, s10;
	p1 =	sne.s32 s21, $0x1  }
.Ltmp0:
0x39: {  	s17 =	sadd.s32 s3, s10;
	s16 =	sadd.s32 s0, s11;
	(pc) =	sbr.rel @!p1 .LBB2_3-.Ltmp0, $4  }
0x3a: {  	s15 =	sadd.s32 s3, s11;
	s9 =	sadd.s32 s0, s13;
	s8 =	sadd.s32 s3, s13  }
0x3b: {  	s5 =	sadd.s32 s0, s19;
	s3 =	sadd.s32 s3, s19;
	s13 =	simm.s32 $0x1  }
0x3c: {  	s10 =	simm.s32 $0x2;
	s19 =	simm.s32 $0x10000;
	s7 =	simm.s32 $0x4  }
0x3d: {  	s11 =	simm.s32 $0x6;
	s0 =	sadd.s32 $0xFFFFFFFF, s21;
	s21 =	simm.s32 $0x3  }
0x3e: {  	[tilespmem:s2], [sflag:$0x1] =	stream.linear.gather [hbm4b:s1+s2], $0x8000, $0x38;
	[tilespmem:$0x18000] =	vst v63  }
0x3f: {  	_ =	swait.ge [sflag:s13], $0x8000  }
0x40: {  	s1 =	rddreg [dreg:$0x4];
	[sflag:s13] =	ssyncset.done $0x0  }
0x41: {  	[smem:$0x7EE] =	sst s0;
	[sflag:s13] =	ssyncadd.s32 $0xFFFF8000  }
0x42: {  	[hbm4b:s1+s2] =	stream.linear.scatter [tilespmem:s2], [sflag:$0x4], $0x8000, $0x38;
	[tilespmem:$0x18000] =	vst v63  }
0x43: {  	s0 =	rddreg [dreg:$0x5]  }
0x44: {  	[tilespmem:s6], [sflag:$0x2] =	stream.linear.gather [hbm4b:s0+s2], $0x8000, $0x38;
	[tilespmem:$0x18000] =	vst v63  }
0x45: {  	_ =	swait.ge [sflag:s10], $0x8000  }
0x46: {  	[sflag:s10] =	ssyncset.done $0x0  }
0x47: {  	s0 =	rddreg [dreg:$0x6];
	[sflag:s10] =	ssyncadd.s32 $0xFFFF8000  }
0x48: {  	[hbm4b:s0+s2] =	stream.linear.scatter [tilespmem:s6], [sflag:$0x5], $0x8000, $0x38;
	[tilespmem:$0x18000] =	vst v63  }
0x49: {  	s1 =	rddreg [dreg:$0x7]  }
0x4a: {  	[tilespmem:s19], [sflag:$0x3] =	stream.linear.gather [hbm4b:s1+s2], $0x8000, $0x38;
	[tilespmem:$0x18000] =	vst v63  }
0x4b: {  	_ =	swait.ge [sflag:s21], $0x8000  }
0x4c: {  	[sflag:s21] =	ssyncset.done $0x0  }
0x4d: {  	s1 =	rddreg [dreg:$0x8];
	[sflag:s21] =	ssyncadd.s32 $0xFFFF8000  }
0x4e: {  	[hbm4b:s1+s2] =	stream.linear.scatter [tilespmem:s19], [sflag:$0x6], $0x8000, $0x38;
	[tilespmem:$0x18000] =	vst v63  }
0x4f: {  	_ =	swait.ge [sflag:s7], $0x8000  }
0x50: {  	[sflag:s7] =	ssyncset.done $0x0  }
0x51: {  	s1 =	rddreg [dreg:$0x9];
	[sflag:s7] =	ssyncadd.s32 $0xFFFF8000  }
0x52: {  	[tilespmem:s2], [sflag:$0x1] =	stream.linear.gather [hbm4b:s1+s2], $0x8000, $0x38;
	[tilespmem:$0x18000] =	vst v63  }
0x53: {  	_ =	swait.ge [sflag:s13], $0x8000  }
0x54: {  	[sflag:s13] =	ssyncset.done $0x0  }
0x55: {  	s1 =	rddreg [dreg:$0xa];
	[sflag:s13] =	ssyncadd.s32 $0xFFFF8000  }
0x56: {  	[hbm4b:s1+s2] =	stream.linear.scatter [tilespmem:s2], [sflag:$0x4], $0x8000, $0x38;
	[tilespmem:$0x18000] =	vst v63  }
0x57: {  	_ =	swait.ge [sflag:s4], $0x8000  }
0x58: {  	[sflag:s4] =	ssyncset.done $0x0  }
0x59: {  	s1 =	rddreg [dreg:$0xb];
	[sflag:s4] =	ssyncadd.s32 $0xFFFF8000  }
0x5a: {  	[tilespmem:s6], [sflag:$0x2] =	stream.linear.gather [hbm4b:s1+s2], $0x8000, $0x38;
	[tilespmem:$0x18000] =	vst v63  }
0x5b: {  	_ =	swait.ge [sflag:s10], $0x8000  }
0x5c: {  	[sflag:s10] =	ssyncset.done $0x0  }
0x5d: {  	s1 =	rddreg [dreg:$0xc];
	[sflag:s10] =	ssyncadd.s32 $0xFFFF8000  }
0x5e: {  	[hbm4b:s1+s2] =	stream.linear.scatter [tilespmem:s6], [sflag:$0x5], $0x8000, $0x38;
	[tilespmem:$0x18000] =	vst v63  }
0x5f: {  	_ =	swait.ge [sflag:s11], $0x8000  }
0x60: {  	[sflag:s11] =	ssyncset.done $0x0  }
0x61: {  	s1 =	rddreg [dreg:$0xd];
	[sflag:s11] =	ssyncadd.s32 $0xFFFF8000  }
0x62: {  	[tilespmem:s19], [sflag:$0x3] =	stream.linear.gather [hbm4b:s1+s2], $0x8000, $0x38;
	[tilespmem:$0x18000] =	vst v63  }
0x63: {  	_ =	swait.ge [sflag:s21], $0x8000  }
0x64: {  	[sflag:s21] =	ssyncset.done $0x0  }
0x65: {  	s1 =	rddreg [dreg:$0xe];
	[sflag:s21] =	ssyncadd.s32 $0xFFFF8000  }
0x66: {  	[hbm4b:s1+s2] =	stream.linear.scatter [tilespmem:s19], [sflag:$0x6], $0x8000, $0x38;
	[tilespmem:$0x18000] =	vst v63  }
0x67: {  	_ =	swait.ge [sflag:s7], $0x8000  }
0x68: {  	[sflag:s7] =	ssyncset.done $0x0  }
0x69: {  	s1 =	rddreg [dreg:$0xf];
	[sflag:s7] =	ssyncadd.s32 $0xFFFF8000  }
0x6a: {  	[tilespmem:s2], [sflag:$0x1] =	stream.linear.gather [hbm4b:s1+s2], $0x8000, $0x38;
	[tilespmem:$0x18000] =	vst v63  }
0x6b: {  	_ =	swait.ge [sflag:s13], $0x8000  }
0x6c: {  	[sflag:s13] =	ssyncset.done $0x0  }
0x6d: {  	s1 =	rddreg [dreg:$0x10];
	[sflag:s13] =	ssyncadd.s32 $0xFFFF8000  }
0x6e: {  	[hbm4b:s1+s2] =	stream.linear.scatter [tilespmem:s2], [sflag:$0x4], $0x8000, $0x38;
	[tilespmem:$0x18000] =	vst v63  }
0x6f: {  	_ =	swait.ge [sflag:s4], $0x8000  }
0x70: {  	[sflag:s4] =	ssyncset.done $0x0  }
0x71: {  	s1 =	rddreg [dreg:$0x11];
	[sflag:s4] =	ssyncadd.s32 $0xFFFF8000  }
0x72: {  	[tilespmem:s6], [sflag:$0x2] =	stream.linear.gather [hbm4b:s1+s2], $0x8000, $0x38;
	[tilespmem:$0x18000] =	vst v63  }
0x73: {  	_ =	swait.ge [sflag:s10], $0x8000  }
0x74: {  	[sflag:s10] =	ssyncset.done $0x0  }
0x75: {  	s1 =	rddreg [dreg:$0x12];
	[sflag:s10] =	ssyncadd.s32 $0xFFFF8000  }
0x76: {  	[hbm4b:s1+s2] =	stream.linear.scatter [tilespmem:s6], [sflag:$0x5], $0x8000, $0x38;
	[tilespmem:$0x18000] =	vst v63  }
0x77: {  	_ =	swait.ge [sflag:s11], $0x8000  }
0x78: {  	[sflag:s11] =	ssyncset.done $0x0  }
0x79: {  	s1 =	rddreg [dreg:$0x13];
	[sflag:s11] =	ssyncadd.s32 $0xFFFF8000  }
0x7a: {  	[tilespmem:s19], [sflag:$0x3] =	stream.linear.gather [hbm4b:s1+s2], $0x8000, $0x38;
	[tilespmem:$0x18000] =	vst v63  }
0x7b: {  	_ =	swait.ge [sflag:s21], $0x8000  }
0x7c: {  	[sflag:s21] =	ssyncset.done $0x0  }
0x7d: {  	s1 =	rddreg [dreg:$0x14];
	[sflag:s21] =	ssyncadd.s32 $0xFFFF8000  }
0x7e: {  	[hbm4b:s1+s2] =	stream.linear.scatter [tilespmem:s19], [sflag:$0x6], $0x8000, $0x38;
	[tilespmem:$0x18000] =	vst v63  }
0x7f: {  	_ =	swait.ge [sflag:s7], $0x8000  }
0x80: {  	[sflag:s7] =	ssyncset.done $0x0  }
0x81: {  	s1 =	rddreg [dreg:$0x15];
	[sflag:s7] =	ssyncadd.s32 $0xFFFF8000  }
0x82: {  	[tilespmem:s2], [sflag:$0x1] =	stream.linear.gather [hbm4b:s1+s2], $0x8000, $0x38;
	[tilespmem:$0x18000] =	vst v63  }
0x83: {  	_ =	swait.ge [sflag:s13], $0x8000  }
0x84: {  	[sflag:s13] =	ssyncset.done $0x0  }
0x85: {  	s1 =	rddreg [dreg:$0x16];
	[sflag:s13] =	ssyncadd.s32 $0xFFFF8000  }
0x86: {  	[hbm4b:s1+s2] =	stream.linear.scatter [tilespmem:s2], [sflag:$0x4], $0x8000, $0x38;
	[tilespmem:$0x18000] =	vst v63  }
0x87: {  	_ =	swait.ge [sflag:s4], $0x8000  }
0x88: {  	[sflag:s4] =	ssyncset.done $0x0  }
0x89: {  	s1 =	rddreg [dreg:$0x17];
	[sflag:s4] =	ssyncadd.s32 $0xFFFF8000  }
0x8a: {  	[tilespmem:s6], [sflag:$0x2] =	stream.linear.gather [hbm4b:s1+s2], $0x8000, $0x38;
	[tilespmem:$0x18000] =	vst v63  }
0x8b: {  	_ =	swait.ge [sflag:s10], $0x8000  }
0x8c: {  	[sflag:s10] =	ssyncset.done $0x0  }
0x8d: {  	s1 =	rddreg [dreg:$0x18];
	[sflag:s10] =	ssyncadd.s32 $0xFFFF8000  }
0x8e: {  	[hbm4b:s1+s2] =	stream.linear.scatter [tilespmem:s6], [sflag:$0x5], $0x8000, $0x38;
	[tilespmem:$0x18000] =	vst v63  }
0x8f: {  	_ =	swait.ge [sflag:s11], $0x8000  }
0x90: {  	[sflag:s11] =	ssyncset.done $0x0  }
0x91: {  	s1 =	rddreg [dreg:$0x19];
	[sflag:s11] =	ssyncadd.s32 $0xFFFF8000  }
0x92: {  	[tilespmem:s19], [sflag:$0x3] =	stream.linear.gather [hbm4b:s1+s2], $0x8000, $0x38;
	[tilespmem:$0x18000] =	vst v63  }
0x93: {  	_ =	swait.ge [sflag:s21], $0x8000  }
0x94: {  	[sflag:s21] =	ssyncset.done $0x0  }
0x95: {  	s1 =	rddreg [dreg:$0x1a];
	[sflag:s21] =	ssyncadd.s32 $0xFFFF8000  }
0x96: {  	[hbm4b:s1+s2] =	stream.linear.scatter [tilespmem:s19], [sflag:$0x6], $0x8000, $0x38;
	[tilespmem:$0x18000] =	vst v63  }
0x97: {  	_ =	swait.ge [sflag:s7], $0x8000  }
0x98: {  	[sflag:s7] =	ssyncset.done $0x0  }
0x99: {  	s1 =	rddreg [dreg:$0x1b];
	[sflag:s7] =	ssyncadd.s32 $0xFFFF8000  }
0x9a: {  	[tilespmem:s2], [sflag:$0x1] =	stream.linear.gather [hbm4b:s1+s2], $0x8000, $0x38;
	[tilespmem:$0x18000] =	vst v63  }
0x9b: {  	_ =	swait.ge [sflag:s13], $0x8000  }
0x9c: {  	[sflag:s13] =	ssyncset.done $0x0  }
0x9d: {  	s1 =	rddreg [dreg:$0x1c];
	[sflag:s13] =	ssyncadd.s32 $0xFFFF8000  }
0x9e: {  	[hbm4b:s1+s2] =	stream.linear.scatter [tilespmem:s2], [sflag:$0x4], $0x8000, $0x38;
	[tilespmem:$0x18000] =	vst v63  }
0x9f: {  	_ =	swait.ge [sflag:s4], $0x8000  }
0xa0: {  	[sflag:s4] =	ssyncset.done $0x0  }
0xa1: {  	s1 =	rddreg [dreg:$0x1d];
	[sflag:s4] =	ssyncadd.s32 $0xFFFF8000  }
0xa2: {  	[tilespmem:s6], [sflag:$0x2] =	stream.linear.gather [hbm4b:s1+s2], $0x8000, $0x38;
	[tilespmem:$0x18000] =	vst v63  }
0xa3: {  	_ =	swait.ge [sflag:s10], $0x8000  }
0xa4: {  	[sflag:s10] =	ssyncset.done $0x0  }
0xa5: {  	s1 =	rddreg [dreg:$0x1e];
	[sflag:s10] =	ssyncadd.s32 $0xFFFF8000  }
0xa6: {  	[hbm4b:s1+s2] =	stream.linear.scatter [tilespmem:s6], [sflag:$0x5], $0x8000, $0x38;
	[tilespmem:$0x18000] =	vst v63  }
0xa7: {  	_ =	swait.ge [sflag:s11], $0x8000  }
0xa8: {  	[sflag:s11] =	ssyncset.done $0x0  }
0xa9: {  	s1 =	rddreg [dreg:$0x1f];
	[sflag:s11] =	ssyncadd.s32 $0xFFFF8000  }
0xaa: {  	[tilespmem:s19], [sflag:$0x3] =	stream.linear.gather [hbm4b:s1+s2], $0x8000, $0x38;
	[tilespmem:$0x18000] =	vst v63  }
0xab: {  	_ =	swait.ge [sflag:s21], $0x8000  }
0xac: {  	s1 =	sld [smem:$0x7EF]  }
0xad: {  	[sflag:s21] =	ssyncset.done $0x0  }
0xae: {  	[sflag:s21] =	ssyncadd.s32 $0xFFFF8000  }
0xaf: {  	[hbm4b:s1+s2] =	stream.linear.scatter [tilespmem:s19], [sflag:$0x6], $0x8000, $0x38;
	[tilespmem:$0x18000] =	vst v63  }
0xb0: {  	_ =	swait.ge [sflag:s7], $0x8000  }
0xb1: {  	s1 =	sld [smem:$0x7F0]  }
0xb2: {  	[sflag:s7] =	ssyncset.done $0x0  }
0xb3: {  	[sflag:s7] =	ssyncadd.s32 $0xFFFF8000  }
0xb4: {  	[tilespmem:s2], [sflag:$0x1] =	stream.linear.gather [hbm4b:s1+s2], $0x8000, $0x38;
	[tilespmem:$0x18000] =	vst v63  }
0xb5: {  	_ =	swait.ge [sflag:s13], $0x8000  }
0xb6: {  	s1 =	sld [smem:$0x7F1]  }
0xb7: {  	[sflag:s13] =	ssyncset.done $0x0  }
0xb8: {  	[sflag:s13] =	ssyncadd.s32 $0xFFFF8000  }
0xb9: {  	[hbm4b:s1+s2] =	stream.linear.scatter [tilespmem:s2], [sflag:$0x4], $0x8000, $0x38;
	[tilespmem:$0x18000] =	vst v63  }
0xba: {  	_ =	swait.ge [sflag:s4], $0x8000  }
0xbb: {  	s1 =	sld [smem:$0x7F2]  }
0xbc: {  	[sflag:s4] =	ssyncset.done $0x0  }
0xbd: {  	[sflag:s4] =	ssyncadd.s32 $0xFFFF8000  }
0xbe: {  	[tilespmem:s6], [sflag:$0x2] =	stream.linear.gather [hbm4b:s1+s2], $0x8000, $0x38;
	[tilespmem:$0x18000] =	vst v63  }
0xbf: {  	_ =	swait.ge [sflag:s10], $0x8000  }
0xc0: {  	s1 =	sld [smem:$0x7F3]  }
0xc1: {  	[sflag:s10] =	ssyncset.done $0x0  }
0xc2: {  	[sflag:s10] =	ssyncadd.s32 $0xFFFF8000  }
0xc3: {  	[hbm4b:s1+s2] =	stream.linear.scatter [tilespmem:s6], [sflag:$0x5], $0x8000, $0x38;
	[tilespmem:$0x18000] =	vst v63  }
0xc4: {  	_ =	swait.ge [sflag:s11], $0x8000  }
0xc5: {  	s1 =	sld [smem:$0x7F4]  }
0xc6: {  	[sflag:s11] =	ssyncset.done $0x0  }
0xc7: {  	[sflag:s11] =	ssyncadd.s32 $0xFFFF8000  }
0xc8: {  	[tilespmem:s19], [sflag:$0x3] =	stream.linear.gather [hbm4b:s1+s2], $0x8000, $0x38;
	[tilespmem:$0x18000] =	vst v63  }
0xc9: {  	_ =	swait.ge [sflag:s21], $0x8000  }
0xca: {  	s1 =	sld [smem:$0x7F5]  }
0xcb: {  	[sflag:s21] =	ssyncset.done $0x0  }
0xcc: {  	[sflag:s21] =	ssyncadd.s32 $0xFFFF8000  }
0xcd: {  	[hbm4b:s1+s2] =	stream.linear.scatter [tilespmem:s19], [sflag:$0x6], $0x8000, $0x38;
	[tilespmem:$0x18000] =	vst v63  }
0xce: {  	_ =	swait.ge [sflag:s7], $0x8000  }
0xcf: {  	s1 =	sld [smem:$0x7F6]  }
0xd0: {  	[sflag:s7] =	ssyncset.done $0x0  }
0xd1: {  	[sflag:s7] =	ssyncadd.s32 $0xFFFF8000  }
0xd2: {  	[tilespmem:s2], [sflag:$0x1] =	stream.linear.gather [hbm4b:s1+s2], $0x8000, $0x38;
	[tilespmem:$0x18000] =	vst v63  }
0xd3: {  	_ =	swait.ge [sflag:s13], $0x8000  }
0xd4: {  	s1 =	sld [smem:$0x7F7]  }
0xd5: {  	[sflag:s13] =	ssyncset.done $0x0  }
0xd6: {  	[sflag:s13] =	ssyncadd.s32 $0xFFFF8000  }
0xd7: {  	[hbm4b:s1+s2] =	stream.linear.scatter [tilespmem:s2], [sflag:$0x4], $0x8000, $0x38;
	[tilespmem:$0x18000] =	vst v63  }
0xd8: {  	_ =	swait.ge [sflag:s4], $0x8000  }
0xd9: {  	s1 =	sld [smem:$0x7F8]  }
0xda: {  	[sflag:s4] =	ssyncset.done $0x0  }
0xdb: {  	[sflag:s4] =	ssyncadd.s32 $0xFFFF8000  }
0xdc: {  	[tilespmem:s6], [sflag:$0x2] =	stream.linear.gather [hbm4b:s1+s2], $0x8000, $0x38;
	[tilespmem:$0x18000] =	vst v63  }
0xdd: {  	_ =	swait.ge [sflag:s10], $0x8000  }
0xde: {  	s1 =	sld [smem:$0x7F9]  }
0xdf: {  	[sflag:s10] =	ssyncset.done $0x0  }
0xe0: {  	[sflag:s10] =	ssyncadd.s32 $0xFFFF8000  }
0xe1: {  	[hbm4b:s1+s2] =	stream.linear.scatter [tilespmem:s6], [sflag:$0x5], $0x8000, $0x38;
	[tilespmem:$0x18000] =	vst v63  }
0xe2: {  	_ =	swait.ge [sflag:s11], $0x8000  }
0xe3: {  	s1 =	sld [smem:$0x7FA]  }
0xe4: {  	[sflag:s11] =	ssyncset.done $0x0  }
0xe5: {  	[sflag:s11] =	ssyncadd.s32 $0xFFFF8000  }
0xe6: {  	[tilespmem:s19], [sflag:$0x3] =	stream.linear.gather [hbm4b:s1+s2], $0x8000, $0x38;
	[tilespmem:$0x18000] =	vst v63  }
0xe7: {  	_ =	swait.ge [sflag:s21], $0x8000  }
0xe8: {  	s1 =	sld [smem:$0x7FB]  }
0xe9: {  	[sflag:s21] =	ssyncset.done $0x0  }
0xea: {  	[sflag:s21] =	ssyncadd.s32 $0xFFFF8000  }
0xeb: {  	[hbm4b:s1+s2] =	stream.linear.scatter [tilespmem:s19], [sflag:$0x6], $0x8000, $0x38;
	[tilespmem:$0x18000] =	vst v63  }
0xec: {  	_ =	swait.ge [sflag:s7], $0x8000  }
0xed: {  	s1 =	sld [smem:$0x7FC]  }
0xee: {  	[sflag:s7] =	ssyncset.done $0x0  }
0xef: {  	[sflag:s7] =	ssyncadd.s32 $0xFFFF8000  }
0xf0: {  	[tilespmem:s2], [sflag:$0x1] =	stream.linear.gather [hbm4b:s1+s2], $0x8000, $0x38;
	[tilespmem:$0x18000] =	vst v63  }
0xf1: {  	_ =	swait.ge [sflag:s13], $0x8000  }
0xf2: {  	s1 =	sld [smem:$0x7FD]  }
0xf3: {  	[sflag:s13] =	ssyncset.done $0x0  }
0xf4: {  	[sflag:s13] =	ssyncadd.s32 $0xFFFF8000  }
0xf5: {  	[hbm4b:s1+s2] =	stream.linear.scatter [tilespmem:s2], [sflag:$0x4], $0x8000, $0x38;
	[tilespmem:$0x18000] =	vst v63  }
0xf6: {  	_ =	swait.ge [sflag:s4], $0x8000  }
0xf7: {  	[sflag:s4] =	ssyncset.done $0x0  }
0xf8: {  	[sflag:s4] =	ssyncadd.s32 $0xFFFF8000  }
0xf9: {  	[tilespmem:s6], [sflag:$0x2] =	stream.linear.gather [hbm4b:s31+s2], $0x8000, $0x38;
	[tilespmem:$0x18000] =	vst v63  }
0xfa: {  	_ =	swait.ge [sflag:s10], $0x8000  }
0xfb: {  	[sflag:s10] =	ssyncset.done $0x0  }
0xfc: {  	[sflag:s10] =	ssyncadd.s32 $0xFFFF8000  }
0xfd: {  	[hbm4b:s30+s2] =	stream.linear.scatter [tilespmem:s6], [sflag:$0x5], $0x8000, $0x38;
	[tilespmem:$0x18000] =	vst v63  }
0xfe: {  	_ =	swait.ge [sflag:s11], $0x8000  }
0xff: {  	[sflag:s11] =	ssyncset.done $0x0  }
0x100: {  	[sflag:s11] =	ssyncadd.s32 $0xFFFF8000  }
0x101: {  	[tilespmem:s19], [sflag:$0x3] =	stream.linear.gather [hbm4b:s29+s2], $0x8000, $0x38;
	[tilespmem:$0x18000] =	vst v63  }
0x102: {  	_ =	swait.ge [sflag:s21], $0x8000  }
0x103: {  	[sflag:s21] =	ssyncset.done $0x0  }
0x104: {  	[sflag:s21] =	ssyncadd.s32 $0xFFFF8000  }
0x105: {  	[hbm4b:s28+s2] =	stream.linear.scatter [tilespmem:s19], [sflag:$0x6], $0x8000, $0x38;
	[tilespmem:$0x18000] =	vst v63  }
0x106: {  	_ =	swait.ge [sflag:s7], $0x8000  }
0x107: {  	[sflag:s7] =	ssyncset.done $0x0  }
0x108: {  	[sflag:s7] =	ssyncadd.s32 $0xFFFF8000  }
0x109: {  	[tilespmem:s2], [sflag:$0x1] =	stream.linear.gather [hbm4b:s26+s2], $0x8000, $0x38;
	[tilespmem:$0x18000] =	vst v63  }
0x10a: {  	_ =	swait.ge [sflag:s13], $0x8000  }
0x10b: {  	[sflag:s13] =	ssyncset.done $0x0  }
0x10c: {  	[sflag:s13] =	ssyncadd.s32 $0xFFFF8000  }
0x10d: {  	[hbm4b:s25+s2] =	stream.linear.scatter [tilespmem:s2], [sflag:$0x4], $0x8000, $0x38;
	[tilespmem:$0x18000] =	vst v63  }
0x10e: {  	_ =	swait.ge [sflag:s4], $0x8000  }
0x10f: {  	[sflag:s4] =	ssyncset.done $0x0  }
0x110: {  	[sflag:s4] =	ssyncadd.s32 $0xFFFF8000  }
0x111: {  	[tilespmem:s6], [sflag:$0x2] =	stream.linear.gather [hbm4b:s24+s2], $0x8000, $0x38;
	[tilespmem:$0x18000] =	vst v63  }
0x112: {  	_ =	swait.ge [sflag:s10], $0x8000  }
0x113: {  	[sflag:s10] =	ssyncset.done $0x0  }
0x114: {  	[sflag:s10] =	ssyncadd.s32 $0xFFFF8000  }
0x115: {  	[hbm4b:s23+s2] =	stream.linear.scatter [tilespmem:s6], [sflag:$0x5], $0x8000, $0x38;
	[tilespmem:$0x18000] =	vst v63  }
0x116: {  	_ =	swait.ge [sflag:s11], $0x8000  }
0x117: {  	[sflag:s11] =	ssyncset.done $0x0  }
0x118: {  	[sflag:s11] =	ssyncadd.s32 $0xFFFF8000  }
0x119: {  	[tilespmem:s19], [sflag:$0x3] =	stream.linear.gather [hbm4b:s22+s2], $0x8000, $0x38;
	[tilespmem:$0x18000] =	vst v63  }
0x11a: {  	_ =	swait.ge [sflag:s21], $0x8000  }
0x11b: {  	[sflag:s21] =	ssyncset.done $0x0  }
0x11c: {  	[sflag:s21] =	ssyncadd.s32 $0xFFFF8000  }
0x11d: {  	[hbm4b:s20+s2] =	stream.linear.scatter [tilespmem:s19], [sflag:$0x6], $0x8000, $0x38;
	[tilespmem:$0x18000] =	vst v63  }
0x11e: {  	_ =	swait.ge [sflag:s7], $0x8000  }
0x11f: {  	[sflag:s7] =	ssyncset.done $0x0  }
0x120: {  	[sflag:s7] =	ssyncadd.s32 $0xFFFF8000  }
0x121: {  	[tilespmem:s2], [sflag:$0x1] =	stream.linear.gather [hbm4b:s18+s2], $0x8000, $0x38;
	[tilespmem:$0x18000] =	vst v63  }
0x122: {  	_ =	swait.ge [sflag:s13], $0x8000  }
0x123: {  	[sflag:s13] =	ssyncset.done $0x0  }
0x124: {  	[sflag:s13] =	ssyncadd.s32 $0xFFFF8000  }
0x125: {  	[hbm4b:s17+s2] =	stream.linear.scatter [tilespmem:s2], [sflag:$0x4], $0x8000, $0x38;
	[tilespmem:$0x18000] =	vst v63  }
0x126: {  	_ =	swait.ge [sflag:s4], $0x8000  }
0x127: {  	[sflag:s4] =	ssyncset.done $0x0  }
0x128: {  	[sflag:s4] =	ssyncadd.s32 $0xFFFF8000  }
0x129: {  	[tilespmem:s6], [sflag:$0x2] =	stream.linear.gather [hbm4b:s16+s2], $0x8000, $0x38;
	[tilespmem:$0x18000] =	vst v63  }
0x12a: {  	_ =	swait.ge [sflag:s10], $0x8000  }
0x12b: {  	[sflag:s10] =	ssyncset.done $0x0  }
0x12c: {  	[sflag:s10] =	ssyncadd.s32 $0xFFFF8000  }
0x12d: {  	[hbm4b:s15+s2] =	stream.linear.scatter [tilespmem:s6], [sflag:$0x5], $0x8000, $0x38;
	[tilespmem:$0x18000] =	vst v63  }
0x12e: {  	_ =	swait.ge [sflag:s11], $0x8000  }
0x12f: {  	[sflag:s11] =	ssyncset.done $0x0  }
0x130: {  	[sflag:s11] =	ssyncadd.s32 $0xFFFF8000  }
0x131: {  	[tilespmem:s19], [sflag:$0x3] =	stream.linear.gather [hbm4b:s14+s2], $0x8000, $0x38;
	[tilespmem:$0x18000] =	vst v63  }
0x132: {  	_ =	swait.ge [sflag:s21], $0x8000  }
0x133: {  	[sflag:s21] =	ssyncset.done $0x0  }
0x134: {  	[sflag:s21] =	ssyncadd.s32 $0xFFFF8000  }
0x135: {  	[hbm4b:s12+s2] =	stream.linear.scatter [tilespmem:s19], [sflag:$0x6], $0x8000, $0x38;
	[tilespmem:$0x18000] =	vst v63  }
0x136: {  	_ =	swait.ge [sflag:s7], $0x8000  }
0x137: {  	[sflag:s7] =	ssyncset.done $0x0  }
0x138: {  	[sflag:s7] =	ssyncadd.s32 $0xFFFF8000  }
0x139: {  	[tilespmem:s2], [sflag:$0x1] =	stream.linear.gather [hbm4b:s9+s2], $0x8000, $0x38;
	[tilespmem:$0x18000] =	vst v63  }
0x13a: {  	_ =	swait.ge [sflag:s13], $0x8000  }
0x13b: {  	[sflag:s13] =	ssyncset.done $0x0  }
0x13c: {  	[sflag:s13] =	ssyncadd.s32 $0xFFFF8000  }
0x13d: {  	[hbm4b:s8+s2] =	stream.linear.scatter [tilespmem:s2], [sflag:$0x4], $0x8000, $0x38;
	[tilespmem:$0x18000] =	vst v63  }
0x13e: {  	_ =	swait.ge [sflag:s4], $0x8000  }
0x13f: {  	[sflag:s4] =	ssyncset.done $0x0  }
0x140: {  	[sflag:s4] =	ssyncadd.s32 $0xFFFF8000  }
0x141: {  	[tilespmem:s6], [sflag:$0x2] =	stream.linear.gather [hbm4b:s5+s2], $0x8000, $0x38;
	[tilespmem:$0x18000] =	vst v63  }
0x142: {  	_ =	swait.ge [sflag:s10], $0x8000  }
0x143: {  	[sflag:s10] =	ssyncset.done $0x0  }
0x144: {  	[sflag:s10] =	ssyncadd.s32 $0xFFFF8000  }
0x145: {  	[hbm4b:s3+s2] =	stream.linear.scatter [tilespmem:s6], [sflag:$0x5], $0x8000, $0x38;
	[tilespmem:$0x18000] =	vst v63  }
0x146: {  	_ =	swait.ge [sflag:s11], $0x8000  }
0x147: {  	[sflag:s11] =	ssyncset.done $0x0  }
0x148: {  	[sflag:s11] =	ssyncadd.s32 $0xFFFF8000  }
0x149: {  	_ =	swait.ge [sflag:s7], $0x8000  }
0x14a: {  	s1 =	sld [smem:$0x7EE];
	_ =	sdelay $0x2  }
0x14b: {  	p1 =	sne.s32 s1, $0x1  }
.Ltmp1:
0x14c: {  	_ = 	snop;
	(pc) =	sbr.rel @!p1 .LBB2_3-.Ltmp1, $4  }
0x14d: {  	[sflag:s7] =	ssyncset.done $0x0  }
0x14e: {  	[sflag:s7] =	ssyncadd.s32 $0xFFFF8000  }
0x14f: {  	p0 =	por $0x1, $0x1;
	_ =	swait.ge [sflag:s4], $0x8000  }
0x150: {  	s0 =	sadd.s32 $0xFFFFFFFF, s1;
	s1 =	rddreg [dreg:$0x3];
	[sflag:s4] =	ssyncset.done $0x0  }
.LBB2_2:
0x151: {  	[sflag:s4] =	ssyncadd.s32 $0xFFFF8000;
	s11 =	simm.s32 $0x8000;
	s19 =	smov.u32 s31  }
0x152: {  	s31 =	smov.u32 s30;
	s30 =	smov.u32 s29;
	s29 =	smov.u32 s28  }
0x153: {  	s28 =	smov.u32 s26;
	s26 =	smov.u32 s25;
	s25 =	smov.u32 s24  }
0x154: {  	s24 =	smov.u32 s23;
	s23 =	smov.u32 s22;
	s22 =	smov.u32 s20  }
0x155: {  	s20 =	smov.u32 s18;
	s18 =	smov.u32 s17;
	s17 =	smov.u32 s16  }
0x156: {  	[tilespmem:s2], [sflag:$0x1] =	stream.linear.gather [hbm4b:s1+s2], $0x8000, $0x38;
	[tilespmem:$0x18000] =	vst v63  }
0x157: {  	s16 =	smov.u32 s15;
	s15 =	smov.u32 s14;
	_ =	swait.ge [sflag:s13], $0x8000  }
0x158: {  	s14 =	smov.u32 s12;
	s12 =	smov.u32 s9;
	[sflag:s13] =	ssyncset.done $0x0  }
0x159: {  	s9 =	smov.u32 s8;
	s1 =	rddreg [dreg:$0x4];
	[sflag:s13] =	ssyncadd.s32 $0xFFFF8000  }
0x15a: {  	[hbm4b:s1+s2] =	stream.linear.scatter [tilespmem:s2], [sflag:$0x4], $0x8000, $0x38;
	[tilespmem:$0x18000] =	vst v63  }
0x15b: {  	s8 =	smov.u32 s5;
	s5 =	smov.u32 s3;
	s3 =	rddreg [dreg:$0x5]  }
0x15c: {  	[tilespmem:s11], [sflag:$0x2] =	stream.linear.gather [hbm4b:s3+s2], $0x8000, $0x38;
	[tilespmem:$0x18000] =	vst v63  }
0x15d: {  	_ =	swait.ge [sflag:s10], $0x8000  }
0x15e: {  	[sflag:s10] =	ssyncset.done $0x0  }
0x15f: {  	s1 =	rddreg [dreg:$0x6];
	[sflag:s10] =	ssyncadd.s32 $0xFFFF8000  }
0x160: {  	[hbm4b:s1+s2] =	stream.linear.scatter [tilespmem:s11], [sflag:$0x5], $0x8000, $0x38;
	[tilespmem:$0x18000] =	vst v63  }
0x161: {  	s6 =	simm.s32 $0x10000;
	s3 =	rddreg [dreg:$0x7]  }
0x162: {  	[tilespmem:s6], [sflag:$0x3] =	stream.linear.gather [hbm4b:s3+s2], $0x8000, $0x38;
	[tilespmem:$0x18000] =	vst v63  }
0x163: {  	s3 =	smov.u32 s5  }
0x164: {  	s5 =	smov.u32 s8;
	s8 =	smov.u32 s9;
	s9 =	smov.u32 s12  }
0x165: {  	s12 =	smov.u32 s14;
	s14 =	smov.u32 s15;
	s15 =	smov.u32 s16  }
0x166: {  	s16 =	smov.u32 s17;
	s17 =	smov.u32 s18;
	s18 =	smov.u32 s20  }
0x167: {  	s20 =	smov.u32 s22;
	s22 =	smov.u32 s23;
	s23 =	smov.u32 s24  }
0x168: {  	s24 =	smov.u32 s25;
	s25 =	smov.u32 s26;
	s26 =	smov.u32 s28  }
0x169: {  	s28 =	smov.u32 s29;
	s29 =	smov.u32 s30;
	_ =	swait.ge [sflag:s21], $0x8000  }
0x16a: {  	s30 =	smov.u32 s31;
	s31 =	smov.u32 s19;
	[sflag:s21] =	ssyncset.done $0x0  }
0x16b: {  	s19 =	simm.s32 $0x10000;
	s1 =	rddreg [dreg:$0x8];
	[sflag:s21] =	ssyncadd.s32 $0xFFFF8000  }
0x16c: {  	[hbm4b:s1+s2] =	stream.linear.scatter [tilespmem:s19], [sflag:$0x6], $0x8000, $0x38;
	[tilespmem:$0x18000] =	vst v63  }
0x16d: {  	_ =	swait.ge [sflag:s7], $0x8000  }
0x16e: {  	[sflag:s7] =	ssyncset.done $0x0  }
0x16f: {  	s1 =	rddreg [dreg:$0x9];
	[sflag:s7] =	ssyncadd.s32 $0xFFFF8000  }
0x170: {  	[tilespmem:s2], [sflag:$0x1] =	stream.linear.gather [hbm4b:s1+s2], $0x8000, $0x38;
	[tilespmem:$0x18000] =	vst v63  }
0x171: {  	_ =	swait.ge [sflag:s13], $0x8000  }
0x172: {  	[sflag:s13] =	ssyncset.done $0x0  }
0x173: {  	s1 =	rddreg [dreg:$0xa];
	[sflag:s13] =	ssyncadd.s32 $0xFFFF8000  }
0x174: {  	[hbm4b:s1+s2] =	stream.linear.scatter [tilespmem:s2], [sflag:$0x4], $0x8000, $0x38;
	[tilespmem:$0x18000] =	vst v63  }
0x175: {  	_ =	swait.ge [sflag:s4], $0x8000  }
0x176: {  	[sflag:s4] =	ssyncset.done $0x0  }
0x177: {  	s6 =	simm.s32 $0x8000;
	s1 =	rddreg [dreg:$0xb];
	[sflag:s4] =	ssyncadd.s32 $0xFFFF8000  }
0x178: {  	[tilespmem:s6], [sflag:$0x2] =	stream.linear.gather [hbm4b:s1+s2], $0x8000, $0x38;
	[tilespmem:$0x18000] =	vst v63  }
0x179: {  	_ =	swait.ge [sflag:s10], $0x8000  }
0x17a: {  	[sflag:s10] =	ssyncset.done $0x0  }
0x17b: {  	s11 =	simm.s32 $0x6;
	s1 =	rddreg [dreg:$0xc];
	[sflag:s10] =	ssyncadd.s32 $0xFFFF8000  }
0x17c: {  	[hbm4b:s1+s2] =	stream.linear.scatter [tilespmem:s6], [sflag:$0x5], $0x8000, $0x38;
	[tilespmem:$0x18000] =	vst v63  }
0x17d: {  	_ =	swait.ge [sflag:s11], $0x8000  }
0x17e: {  	[sflag:s11] =	ssyncset.done $0x0  }
0x17f: {  	s1 =	rddreg [dreg:$0xd];
	[sflag:s11] =	ssyncadd.s32 $0xFFFF8000  }
0x180: {  	[tilespmem:s19], [sflag:$0x3] =	stream.linear.gather [hbm4b:s1+s2], $0x8000, $0x38;
	[tilespmem:$0x18000] =	vst v63  }
0x181: {  	_ =	swait.ge [sflag:s21], $0x8000  }
0x182: {  	[sflag:s21] =	ssyncset.done $0x0  }
0x183: {  	s1 =	rddreg [dreg:$0xe];
	[sflag:s21] =	ssyncadd.s32 $0xFFFF8000  }
0x184: {  	[hbm4b:s1+s2] =	stream.linear.scatter [tilespmem:s19], [sflag:$0x6], $0x8000, $0x38;
	[tilespmem:$0x18000] =	vst v63  }
0x185: {  	_ =	swait.ge [sflag:s7], $0x8000  }
0x186: {  	[sflag:s7] =	ssyncset.done $0x0  }
0x187: {  	s1 =	rddreg [dreg:$0xf];
	[sflag:s7] =	ssyncadd.s32 $0xFFFF8000  }
0x188: {  	[tilespmem:s2], [sflag:$0x1] =	stream.linear.gather [hbm4b:s1+s2], $0x8000, $0x38;
	[tilespmem:$0x18000] =	vst v63  }
0x189: {  	_ =	swait.ge [sflag:s13], $0x8000  }
0x18a: {  	[sflag:s13] =	ssyncset.done $0x0  }
0x18b: {  	s1 =	rddreg [dreg:$0x10];
	[sflag:s13] =	ssyncadd.s32 $0xFFFF8000  }
0x18c: {  	[hbm4b:s1+s2] =	stream.linear.scatter [tilespmem:s2], [sflag:$0x4], $0x8000, $0x38;
	[tilespmem:$0x18000] =	vst v63  }
0x18d: {  	_ =	swait.ge [sflag:s4], $0x8000  }
0x18e: {  	[sflag:s4] =	ssyncset.done $0x0  }
0x18f: {  	s1 =	rddreg [dreg:$0x11];
	[sflag:s4] =	ssyncadd.s32 $0xFFFF8000  }
0x190: {  	[tilespmem:s6], [sflag:$0x2] =	stream.linear.gather [hbm4b:s1+s2], $0x8000, $0x38;
	[tilespmem:$0x18000] =	vst v63  }
0x191: {  	_ =	swait.ge [sflag:s10], $0x8000  }
0x192: {  	[sflag:s10] =	ssyncset.done $0x0  }
0x193: {  	s1 =	rddreg [dreg:$0x12];
	[sflag:s10] =	ssyncadd.s32 $0xFFFF8000  }
0x194: {  	[hbm4b:s1+s2] =	stream.linear.scatter [tilespmem:s6], [sflag:$0x5], $0x8000, $0x38;
	[tilespmem:$0x18000] =	vst v63  }
0x195: {  	_ =	swait.ge [sflag:s11], $0x8000  }
0x196: {  	[sflag:s11] =	ssyncset.done $0x0  }
0x197: {  	s1 =	rddreg [dreg:$0x13];
	[sflag:s11] =	ssyncadd.s32 $0xFFFF8000  }
0x198: {  	[tilespmem:s19], [sflag:$0x3] =	stream.linear.gather [hbm4b:s1+s2], $0x8000, $0x38;
	[tilespmem:$0x18000] =	vst v63  }
0x199: {  	_ =	swait.ge [sflag:s21], $0x8000  }
0x19a: {  	[sflag:s21] =	ssyncset.done $0x0  }
0x19b: {  	s1 =	rddreg [dreg:$0x14];
	[sflag:s21] =	ssyncadd.s32 $0xFFFF8000  }
0x19c: {  	[hbm4b:s1+s2] =	stream.linear.scatter [tilespmem:s19], [sflag:$0x6], $0x8000, $0x38;
	[tilespmem:$0x18000] =	vst v63  }
0x19d: {  	_ =	swait.ge [sflag:s7], $0x8000  }
0x19e: {  	[sflag:s7] =	ssyncset.done $0x0  }
0x19f: {  	s1 =	rddreg [dreg:$0x15];
	[sflag:s7] =	ssyncadd.s32 $0xFFFF8000  }
0x1a0: {  	[tilespmem:s2], [sflag:$0x1] =	stream.linear.gather [hbm4b:s1+s2], $0x8000, $0x38;
	[tilespmem:$0x18000] =	vst v63  }
0x1a1: {  	_ =	swait.ge [sflag:s13], $0x8000  }
0x1a2: {  	[sflag:s13] =	ssyncset.done $0x0  }
0x1a3: {  	s1 =	rddreg [dreg:$0x16];
	[sflag:s13] =	ssyncadd.s32 $0xFFFF8000  }
0x1a4: {  	[hbm4b:s1+s2] =	stream.linear.scatter [tilespmem:s2], [sflag:$0x4], $0x8000, $0x38;
	[tilespmem:$0x18000] =	vst v63  }
0x1a5: {  	_ =	swait.ge [sflag:s4], $0x8000  }
0x1a6: {  	[sflag:s4] =	ssyncset.done $0x0  }
0x1a7: {  	s1 =	rddreg [dreg:$0x17];
	[sflag:s4] =	ssyncadd.s32 $0xFFFF8000  }
0x1a8: {  	[tilespmem:s6], [sflag:$0x2] =	stream.linear.gather [hbm4b:s1+s2], $0x8000, $0x38;
	[tilespmem:$0x18000] =	vst v63  }
0x1a9: {  	_ =	swait.ge [sflag:s10], $0x8000  }
0x1aa: {  	[sflag:s10] =	ssyncset.done $0x0  }
0x1ab: {  	s1 =	rddreg [dreg:$0x18];
	[sflag:s10] =	ssyncadd.s32 $0xFFFF8000  }
0x1ac: {  	[hbm4b:s1+s2] =	stream.linear.scatter [tilespmem:s6], [sflag:$0x5], $0x8000, $0x38;
	[tilespmem:$0x18000] =	vst v63  }
0x1ad: {  	_ =	swait.ge [sflag:s11], $0x8000  }
0x1ae: {  	[sflag:s11] =	ssyncset.done $0x0  }
0x1af: {  	s1 =	rddreg [dreg:$0x19];
	[sflag:s11] =	ssyncadd.s32 $0xFFFF8000  }
0x1b0: {  	[tilespmem:s19], [sflag:$0x3] =	stream.linear.gather [hbm4b:s1+s2], $0x8000, $0x38;
	[tilespmem:$0x18000] =	vst v63  }
0x1b1: {  	_ =	swait.ge [sflag:s21], $0x8000  }
0x1b2: {  	[sflag:s21] =	ssyncset.done $0x0  }
0x1b3: {  	s1 =	rddreg [dreg:$0x1a];
	[sflag:s21] =	ssyncadd.s32 $0xFFFF8000  }
0x1b4: {  	[hbm4b:s1+s2] =	stream.linear.scatter [tilespmem:s19], [sflag:$0x6], $0x8000, $0x38;
	[tilespmem:$0x18000] =	vst v63  }
0x1b5: {  	_ =	swait.ge [sflag:s7], $0x8000  }
0x1b6: {  	[sflag:s7] =	ssyncset.done $0x0  }
0x1b7: {  	s1 =	rddreg [dreg:$0x1b];
	[sflag:s7] =	ssyncadd.s32 $0xFFFF8000  }
0x1b8: {  	[tilespmem:s2], [sflag:$0x1] =	stream.linear.gather [hbm4b:s1+s2], $0x8000, $0x38;
	[tilespmem:$0x18000] =	vst v63  }
0x1b9: {  	_ =	swait.ge [sflag:s13], $0x8000  }
0x1ba: {  	[sflag:s13] =	ssyncset.done $0x0  }
0x1bb: {  	s1 =	rddreg [dreg:$0x1c];
	[sflag:s13] =	ssyncadd.s32 $0xFFFF8000  }
0x1bc: {  	[hbm4b:s1+s2] =	stream.linear.scatter [tilespmem:s2], [sflag:$0x4], $0x8000, $0x38;
	[tilespmem:$0x18000] =	vst v63  }
0x1bd: {  	_ =	swait.ge [sflag:s4], $0x8000  }
0x1be: {  	[sflag:s4] =	ssyncset.done $0x0  }
0x1bf: {  	s1 =	rddreg [dreg:$0x1d];
	[sflag:s4] =	ssyncadd.s32 $0xFFFF8000  }
0x1c0: {  	[tilespmem:s6], [sflag:$0x2] =	stream.linear.gather [hbm4b:s1+s2], $0x8000, $0x38;
	[tilespmem:$0x18000] =	vst v63  }
0x1c1: {  	_ =	swait.ge [sflag:s10], $0x8000  }
0x1c2: {  	[sflag:s10] =	ssyncset.done $0x0  }
0x1c3: {  	s1 =	rddreg [dreg:$0x1e];
	[sflag:s10] =	ssyncadd.s32 $0xFFFF8000  }
0x1c4: {  	[hbm4b:s1+s2] =	stream.linear.scatter [tilespmem:s6], [sflag:$0x5], $0x8000, $0x38;
	[tilespmem:$0x18000] =	vst v63  }
0x1c5: {  	_ =	swait.ge [sflag:s11], $0x8000  }
0x1c6: {  	[sflag:s11] =	ssyncset.done $0x0  }
0x1c7: {  	s1 =	rddreg [dreg:$0x1f];
	[sflag:s11] =	ssyncadd.s32 $0xFFFF8000  }
0x1c8: {  	[tilespmem:s19], [sflag:$0x3] =	stream.linear.gather [hbm4b:s1+s2], $0x8000, $0x38;
	[tilespmem:$0x18000] =	vst v63  }
0x1c9: {  	_ =	swait.ge [sflag:s21], $0x8000  }
0x1ca: {  	s1 =	sld [smem:$0x7EF]  }
0x1cb: {  	[sflag:s21] =	ssyncset.done $0x0  }
0x1cc: {  	[sflag:s21] =	ssyncadd.s32 $0xFFFF8000  }
0x1cd: {  	[hbm4b:s1+s2] =	stream.linear.scatter [tilespmem:s19], [sflag:$0x6], $0x8000, $0x38;
	[tilespmem:$0x18000] =	vst v63  }
0x1ce: {  	_ =	swait.ge [sflag:s7], $0x8000  }
0x1cf: {  	s1 =	sld [smem:$0x7F0]  }
0x1d0: {  	[sflag:s7] =	ssyncset.done $0x0  }
0x1d1: {  	[sflag:s7] =	ssyncadd.s32 $0xFFFF8000  }
0x1d2: {  	[tilespmem:s2], [sflag:$0x1] =	stream.linear.gather [hbm4b:s1+s2], $0x8000, $0x38;
	[tilespmem:$0x18000] =	vst v63  }
0x1d3: {  	_ =	swait.ge [sflag:s13], $0x8000  }
0x1d4: {  	s1 =	sld [smem:$0x7F1]  }
0x1d5: {  	[sflag:s13] =	ssyncset.done $0x0  }
0x1d6: {  	[sflag:s13] =	ssyncadd.s32 $0xFFFF8000  }
0x1d7: {  	[hbm4b:s1+s2] =	stream.linear.scatter [tilespmem:s2], [sflag:$0x4], $0x8000, $0x38;
	[tilespmem:$0x18000] =	vst v63  }
0x1d8: {  	_ =	swait.ge [sflag:s4], $0x8000  }
0x1d9: {  	s1 =	sld [smem:$0x7F2]  }
0x1da: {  	[sflag:s4] =	ssyncset.done $0x0  }
0x1db: {  	[sflag:s4] =	ssyncadd.s32 $0xFFFF8000  }
0x1dc: {  	[tilespmem:s6], [sflag:$0x2] =	stream.linear.gather [hbm4b:s1+s2], $0x8000, $0x38;
	[tilespmem:$0x18000] =	vst v63  }
0x1dd: {  	_ =	swait.ge [sflag:s10], $0x8000  }
0x1de: {  	s1 =	sld [smem:$0x7F3]  }
0x1df: {  	[sflag:s10] =	ssyncset.done $0x0  }
0x1e0: {  	[sflag:s10] =	ssyncadd.s32 $0xFFFF8000  }
0x1e1: {  	[hbm4b:s1+s2] =	stream.linear.scatter [tilespmem:s6], [sflag:$0x5], $0x8000, $0x38;
	[tilespmem:$0x18000] =	vst v63  }
0x1e2: {  	_ =	swait.ge [sflag:s11], $0x8000  }
0x1e3: {  	s1 =	sld [smem:$0x7F4]  }
0x1e4: {  	[sflag:s11] =	ssyncset.done $0x0  }
0x1e5: {  	[sflag:s11] =	ssyncadd.s32 $0xFFFF8000  }
0x1e6: {  	[tilespmem:s19], [sflag:$0x3] =	stream.linear.gather [hbm4b:s1+s2], $0x8000, $0x38;
	[tilespmem:$0x18000] =	vst v63  }
0x1e7: {  	_ =	swait.ge [sflag:s21], $0x8000  }
0x1e8: {  	s1 =	sld [smem:$0x7F5]  }
0x1e9: {  	[sflag:s21] =	ssyncset.done $0x0  }
0x1ea: {  	[sflag:s21] =	ssyncadd.s32 $0xFFFF8000  }
0x1eb: {  	[hbm4b:s1+s2] =	stream.linear.scatter [tilespmem:s19], [sflag:$0x6], $0x8000, $0x38;
	[tilespmem:$0x18000] =	vst v63  }
0x1ec: {  	_ =	swait.ge [sflag:s7], $0x8000  }
0x1ed: {  	s1 =	sld [smem:$0x7F6]  }
0x1ee: {  	[sflag:s7] =	ssyncset.done $0x0  }
0x1ef: {  	[sflag:s7] =	ssyncadd.s32 $0xFFFF8000  }
0x1f0: {  	[tilespmem:s2], [sflag:$0x1] =	stream.linear.gather [hbm4b:s1+s2], $0x8000, $0x38;
	[tilespmem:$0x18000] =	vst v63  }
0x1f1: {  	_ =	swait.ge [sflag:s13], $0x8000  }
0x1f2: {  	s1 =	sld [smem:$0x7F7]  }
0x1f3: {  	[sflag:s13] =	ssyncset.done $0x0  }
0x1f4: {  	[sflag:s13] =	ssyncadd.s32 $0xFFFF8000  }
0x1f5: {  	[hbm4b:s1+s2] =	stream.linear.scatter [tilespmem:s2], [sflag:$0x4], $0x8000, $0x38;
	[tilespmem:$0x18000] =	vst v63  }
0x1f6: {  	_ =	swait.ge [sflag:s4], $0x8000  }
0x1f7: {  	s1 =	sld [smem:$0x7F8]  }
0x1f8: {  	[sflag:s4] =	ssyncset.done $0x0  }
0x1f9: {  	[sflag:s4] =	ssyncadd.s32 $0xFFFF8000  }
0x1fa: {  	[tilespmem:s6], [sflag:$0x2] =	stream.linear.gather [hbm4b:s1+s2], $0x8000, $0x38;
	[tilespmem:$0x18000] =	vst v63  }
0x1fb: {  	_ =	swait.ge [sflag:s10], $0x8000  }
0x1fc: {  	s1 =	sld [smem:$0x7F9]  }
0x1fd: {  	[sflag:s10] =	ssyncset.done $0x0  }
0x1fe: {  	[sflag:s10] =	ssyncadd.s32 $0xFFFF8000  }
0x1ff: {  	[hbm4b:s1+s2] =	stream.linear.scatter [tilespmem:s6], [sflag:$0x5], $0x8000, $0x38;
	[tilespmem:$0x18000] =	vst v63  }
0x200: {  	_ =	swait.ge [sflag:s11], $0x8000  }
0x201: {  	s1 =	sld [smem:$0x7FA]  }
0x202: {  	[sflag:s11] =	ssyncset.done $0x0  }
0x203: {  	[sflag:s11] =	ssyncadd.s32 $0xFFFF8000  }
0x204: {  	[tilespmem:s19], [sflag:$0x3] =	stream.linear.gather [hbm4b:s1+s2], $0x8000, $0x38;
	[tilespmem:$0x18000] =	vst v63  }
0x205: {  	_ =	swait.ge [sflag:s21], $0x8000  }
0x206: {  	s1 =	sld [smem:$0x7FB]  }
0x207: {  	[sflag:s21] =	ssyncset.done $0x0  }
0x208: {  	[sflag:s21] =	ssyncadd.s32 $0xFFFF8000  }
0x209: {  	[hbm4b:s1+s2] =	stream.linear.scatter [tilespmem:s19], [sflag:$0x6], $0x8000, $0x38;
	[tilespmem:$0x18000] =	vst v63  }
0x20a: {  	_ =	swait.ge [sflag:s7], $0x8000  }
0x20b: {  	s1 =	sld [smem:$0x7FC]  }
0x20c: {  	[sflag:s7] =	ssyncset.done $0x0  }
0x20d: {  	[sflag:s7] =	ssyncadd.s32 $0xFFFF8000  }
0x20e: {  	[tilespmem:s2], [sflag:$0x1] =	stream.linear.gather [hbm4b:s1+s2], $0x8000, $0x38;
	[tilespmem:$0x18000] =	vst v63  }
0x20f: {  	_ =	swait.ge [sflag:s13], $0x8000  }
0x210: {  	s1 =	sld [smem:$0x7FD]  }
0x211: {  	[sflag:s13] =	ssyncset.done $0x0  }
0x212: {  	[sflag:s13] =	ssyncadd.s32 $0xFFFF8000  }
0x213: {  	[hbm4b:s1+s2] =	stream.linear.scatter [tilespmem:s2], [sflag:$0x4], $0x8000, $0x38;
	[tilespmem:$0x18000] =	vst v63  }
0x214: {  	_ =	swait.ge [sflag:s4], $0x8000  }
0x215: {  	[sflag:s4] =	ssyncset.done $0x0  }
0x216: {  	[sflag:s4] =	ssyncadd.s32 $0xFFFF8000  }
0x217: {  	[tilespmem:s6], [sflag:$0x2] =	stream.linear.gather [hbm4b:s31+s2], $0x8000, $0x38;
	[tilespmem:$0x18000] =	vst v63  }
0x218: {  	_ =	swait.ge [sflag:s10], $0x8000  }
0x219: {  	[sflag:s10] =	ssyncset.done $0x0  }
0x21a: {  	[sflag:s10] =	ssyncadd.s32 $0xFFFF8000  }
0x21b: {  	[hbm4b:s30+s2] =	stream.linear.scatter [tilespmem:s6], [sflag:$0x5], $0x8000, $0x38;
	[tilespmem:$0x18000] =	vst v63  }
0x21c: {  	_ =	swait.ge [sflag:s11], $0x8000  }
0x21d: {  	[sflag:s11] =	ssyncset.done $0x0  }
0x21e: {  	[sflag:s11] =	ssyncadd.s32 $0xFFFF8000  }
0x21f: {  	[tilespmem:s19], [sflag:$0x3] =	stream.linear.gather [hbm4b:s29+s2], $0x8000, $0x38;
	[tilespmem:$0x18000] =	vst v63  }
0x220: {  	_ =	swait.ge [sflag:s21], $0x8000  }
0x221: {  	[sflag:s21] =	ssyncset.done $0x0  }
0x222: {  	[sflag:s21] =	ssyncadd.s32 $0xFFFF8000  }
0x223: {  	[hbm4b:s28+s2] =	stream.linear.scatter [tilespmem:s19], [sflag:$0x6], $0x8000, $0x38;
	[tilespmem:$0x18000] =	vst v63  }
0x224: {  	_ =	swait.ge [sflag:s7], $0x8000  }
0x225: {  	[sflag:s7] =	ssyncset.done $0x0  }
0x226: {  	[sflag:s7] =	ssyncadd.s32 $0xFFFF8000  }
0x227: {  	[tilespmem:s2], [sflag:$0x1] =	stream.linear.gather [hbm4b:s26+s2], $0x8000, $0x38;
	[tilespmem:$0x18000] =	vst v63  }
0x228: {  	_ =	swait.ge [sflag:s13], $0x8000  }
0x229: {  	[sflag:s13] =	ssyncset.done $0x0  }
0x22a: {  	[sflag:s13] =	ssyncadd.s32 $0xFFFF8000  }
0x22b: {  	[hbm4b:s25+s2] =	stream.linear.scatter [tilespmem:s2], [sflag:$0x4], $0x8000, $0x38;
	[tilespmem:$0x18000] =	vst v63  }
0x22c: {  	_ =	swait.ge [sflag:s4], $0x8000  }
0x22d: {  	[sflag:s4] =	ssyncset.done $0x0  }
0x22e: {  	[sflag:s4] =	ssyncadd.s32 $0xFFFF8000  }
0x22f: {  	[tilespmem:s6], [sflag:$0x2] =	stream.linear.gather [hbm4b:s24+s2], $0x8000, $0x38;
	[tilespmem:$0x18000] =	vst v63  }
0x230: {  	_ =	swait.ge [sflag:s10], $0x8000  }
0x231: {  	[sflag:s10] =	ssyncset.done $0x0  }
0x232: {  	[sflag:s10] =	ssyncadd.s32 $0xFFFF8000  }
0x233: {  	[hbm4b:s23+s2] =	stream.linear.scatter [tilespmem:s6], [sflag:$0x5], $0x8000, $0x38;
	[tilespmem:$0x18000] =	vst v63  }
0x234: {  	_ =	swait.ge [sflag:s11], $0x8000  }
0x235: {  	[sflag:s11] =	ssyncset.done $0x0  }
0x236: {  	[sflag:s11] =	ssyncadd.s32 $0xFFFF8000  }
0x237: {  	[tilespmem:s19], [sflag:$0x3] =	stream.linear.gather [hbm4b:s22+s2], $0x8000, $0x38;
	[tilespmem:$0x18000] =	vst v63  }
0x238: {  	_ =	swait.ge [sflag:s21], $0x8000  }
0x239: {  	[sflag:s21] =	ssyncset.done $0x0  }
0x23a: {  	[sflag:s21] =	ssyncadd.s32 $0xFFFF8000  }
0x23b: {  	[hbm4b:s20+s2] =	stream.linear.scatter [tilespmem:s19], [sflag:$0x6], $0x8000, $0x38;
	[tilespmem:$0x18000] =	vst v63  }
0x23c: {  	_ =	swait.ge [sflag:s7], $0x8000  }
0x23d: {  	[sflag:s7] =	ssyncset.done $0x0  }
0x23e: {  	[sflag:s7] =	ssyncadd.s32 $0xFFFF8000  }
0x23f: {  	[tilespmem:s2], [sflag:$0x1] =	stream.linear.gather [hbm4b:s18+s2], $0x8000, $0x38;
	[tilespmem:$0x18000] =	vst v63  }
0x240: {  	_ =	swait.ge [sflag:s13], $0x8000  }
0x241: {  	[sflag:s13] =	ssyncset.done $0x0  }
0x242: {  	[sflag:s13] =	ssyncadd.s32 $0xFFFF8000  }
0x243: {  	[hbm4b:s17+s2] =	stream.linear.scatter [tilespmem:s2], [sflag:$0x4], $0x8000, $0x38;
	[tilespmem:$0x18000] =	vst v63  }
0x244: {  	_ =	swait.ge [sflag:s4], $0x8000  }
0x245: {  	[sflag:s4] =	ssyncset.done $0x0  }
0x246: {  	[sflag:s4] =	ssyncadd.s32 $0xFFFF8000  }
0x247: {  	[tilespmem:s6], [sflag:$0x2] =	stream.linear.gather [hbm4b:s16+s2], $0x8000, $0x38;
	[tilespmem:$0x18000] =	vst v63  }
0x248: {  	_ =	swait.ge [sflag:s10], $0x8000  }
0x249: {  	[sflag:s10] =	ssyncset.done $0x0  }
0x24a: {  	[sflag:s10] =	ssyncadd.s32 $0xFFFF8000  }
0x24b: {  	[hbm4b:s15+s2] =	stream.linear.scatter [tilespmem:s6], [sflag:$0x5], $0x8000, $0x38;
	[tilespmem:$0x18000] =	vst v63  }
0x24c: {  	_ =	swait.ge [sflag:s11], $0x8000  }
0x24d: {  	[sflag:s11] =	ssyncset.done $0x0  }
0x24e: {  	[sflag:s11] =	ssyncadd.s32 $0xFFFF8000  }
0x24f: {  	[tilespmem:s19], [sflag:$0x3] =	stream.linear.gather [hbm4b:s14+s2], $0x8000, $0x38;
	[tilespmem:$0x18000] =	vst v63  }
0x250: {  	_ =	swait.ge [sflag:s21], $0x8000  }
0x251: {  	[sflag:s21] =	ssyncset.done $0x0  }
0x252: {  	[sflag:s21] =	ssyncadd.s32 $0xFFFF8000  }
0x253: {  	[hbm4b:s12+s2] =	stream.linear.scatter [tilespmem:s19], [sflag:$0x6], $0x8000, $0x38;
	[tilespmem:$0x18000] =	vst v63  }
0x254: {  	_ =	swait.ge [sflag:s7], $0x8000  }
0x255: {  	[sflag:s7] =	ssyncset.done $0x0  }
0x256: {  	[sflag:s7] =	ssyncadd.s32 $0xFFFF8000  }
0x257: {  	[tilespmem:s2], [sflag:$0x1] =	stream.linear.gather [hbm4b:s9+s2], $0x8000, $0x38;
	[tilespmem:$0x18000] =	vst v63  }
0x258: {  	_ =	swait.ge [sflag:s13], $0x8000  }
0x259: {  	[sflag:s13] =	ssyncset.done $0x0  }
0x25a: {  	[sflag:s13] =	ssyncadd.s32 $0xFFFF8000  }
0x25b: {  	[hbm4b:s8+s2] =	stream.linear.scatter [tilespmem:s2], [sflag:$0x4], $0x8000, $0x38;
	[tilespmem:$0x18000] =	vst v63  }
0x25c: {  	_ =	swait.ge [sflag:s4], $0x8000  }
0x25d: {  	[sflag:s4] =	ssyncset.done $0x0  }
0x25e: {  	[sflag:s4] =	ssyncadd.s32 $0xFFFF8000  }
0x25f: {  	[tilespmem:s6], [sflag:$0x2] =	stream.linear.gather [hbm4b:s5+s2], $0x8000, $0x38;
	[tilespmem:$0x18000] =	vst v63  }
0x260: {  	_ =	swait.ge [sflag:s10], $0x8000  }
0x261: {  	[sflag:s10] =	ssyncset.done $0x0  }
0x262: {  	[sflag:s10] =	ssyncadd.s32 $0xFFFF8000  }
0x263: {  	[hbm4b:s3+s2] =	stream.linear.scatter [tilespmem:s6], [sflag:$0x5], $0x8000, $0x38;
	[tilespmem:$0x18000] =	vst v63  }
0x264: {  	_ =	swait.ge [sflag:s11], $0x8000  }
0x265: {  	[sflag:s11] =	ssyncset.done $0x0  }
0x266: {  	p1 =	sne.s32 s0, $0x1;
	[sflag:s11] =	ssyncadd.s32 $0xFFFF8000  }
.Ltmp2:
0x267: {  	_ =	swait.ge [sflag:s7], $0x8000;
	(pc) =	sbr.rel @p1 .LBB2_2-.Ltmp2, $4  }
0x268: {  	[sflag:s7] =	ssyncset.done $0x0  }
0x269: {  	[sflag:s7] =	ssyncadd.s32 $0xFFFF8000  }
0x26a: {  	_ =	swait.ge [sflag:s4], $0x8000  }
0x26b: {  	s0 =	sadd.s32 $0xFFFFFFFF, s0;
	s1 =	rddreg [dreg:$0x3];
	[sflag:s4] =	ssyncset.done $0x0  }
.LBB2_3:
0x26c: {  	[sflag:s4] =	ssyncadd.s32 @p0 $0xFFFF8000  }
0x26d: {  	[tilespmem:s2], [sflag:$0x1] =	stream.linear.gather [hbm4b:s1+s2], $0x8000, $0x38;
	[tilespmem:$0x18000] =	vst v63  }
0x26e: {  	_ =	swait.ge [sflag:s13], $0x8000  }
0x26f: {  	[sflag:s13] =	ssyncset.done $0x0  }
0x270: {  	s0 =	rddreg [dreg:$0x4];
	[sflag:s13] =	ssyncadd.s32 $0xFFFF8000  }
0x271: {  	[hbm4b:s0+s2] =	stream.linear.scatter [tilespmem:s2], [sflag:$0x4], $0x8000, $0x38;
	[tilespmem:$0x18000] =	vst v63  }
0x272: {  	s1 =	rddreg [dreg:$0x5]  }
0x273: {  	[tilespmem:s6], [sflag:$0x2] =	stream.linear.gather [hbm4b:s1+s2], $0x8000, $0x38;
	[tilespmem:$0x18000] =	vst v63  }
0x274: {  	_ =	swait.ge [sflag:s10], $0x8000  }
0x275: {  	[sflag:s10] =	ssyncset.done $0x0  }
0x276: {  	s0 =	rddreg [dreg:$0x6];
	[sflag:s10] =	ssyncadd.s32 $0xFFFF8000  }
0x277: {  	[hbm4b:s0+s2] =	stream.linear.scatter [tilespmem:s6], [sflag:$0x5], $0x8000, $0x38;
	[tilespmem:$0x18000] =	vst v63  }
0x278: {  	s1 =	rddreg [dreg:$0x7]  }
0x279: {  	[tilespmem:s19], [sflag:$0x3] =	stream.linear.gather [hbm4b:s1+s2], $0x8000, $0x38;
	[tilespmem:$0x18000] =	vst v63  }
0x27a: {  	_ =	swait.ge [sflag:s21], $0x8000  }
0x27b: {  	[sflag:s21] =	ssyncset.done $0x0  }
0x27c: {  	s1 =	rddreg [dreg:$0x8];
	[sflag:s21] =	ssyncadd.s32 $0xFFFF8000  }
0x27d: {  	[hbm4b:s1+s2] =	stream.linear.scatter [tilespmem:s19], [sflag:$0x6], $0x8000, $0x38;
	[tilespmem:$0x18000] =	vst v63  }
0x27e: {  	_ =	swait.ge [sflag:s7], $0x8000  }
0x27f: {  	[sflag:s7] =	ssyncset.done $0x0  }
0x280: {  	s1 =	rddreg [dreg:$0x9];
	[sflag:s7] =	ssyncadd.s32 $0xFFFF8000  }
0x281: {  	[tilespmem:s2], [sflag:$0x1] =	stream.linear.gather [hbm4b:s1+s2], $0x8000, $0x38;
	[tilespmem:$0x18000] =	vst v63  }
0x282: {  	_ =	swait.ge [sflag:s13], $0x8000  }
0x283: {  	[sflag:s13] =	ssyncset.done $0x0  }
0x284: {  	s1 =	rddreg [dreg:$0xa];
	[sflag:s13] =	ssyncadd.s32 $0xFFFF8000  }
0x285: {  	[hbm4b:s1+s2] =	stream.linear.scatter [tilespmem:s2], [sflag:$0x4], $0x8000, $0x38;
	[tilespmem:$0x18000] =	vst v63  }
0x286: {  	_ =	swait.ge [sflag:s4], $0x8000  }
0x287: {  	[sflag:s4] =	ssyncset.done $0x0  }
0x288: {  	s1 =	rddreg [dreg:$0xb];
	[sflag:s4] =	ssyncadd.s32 $0xFFFF8000  }
0x289: {  	[tilespmem:s6], [sflag:$0x2] =	stream.linear.gather [hbm4b:s1+s2], $0x8000, $0x38;
	[tilespmem:$0x18000] =	vst v63  }
0x28a: {  	_ =	swait.ge [sflag:s10], $0x8000  }
0x28b: {  	[sflag:s10] =	ssyncset.done $0x0  }
0x28c: {  	s1 =	rddreg [dreg:$0xc];
	[sflag:s10] =	ssyncadd.s32 $0xFFFF8000  }
0x28d: {  	[hbm4b:s1+s2] =	stream.linear.scatter [tilespmem:s6], [sflag:$0x5], $0x8000, $0x38;
	[tilespmem:$0x18000] =	vst v63  }
0x28e: {  	_ =	swait.ge [sflag:s11], $0x8000  }
0x28f: {  	[sflag:s11] =	ssyncset.done $0x0  }
0x290: {  	s1 =	rddreg [dreg:$0xd];
	[sflag:s11] =	ssyncadd.s32 $0xFFFF8000  }
0x291: {  	[tilespmem:s19], [sflag:$0x3] =	stream.linear.gather [hbm4b:s1+s2], $0x8000, $0x38;
	[tilespmem:$0x18000] =	vst v63  }
0x292: {  	_ =	swait.ge [sflag:s21], $0x8000  }
0x293: {  	[sflag:s21] =	ssyncset.done $0x0  }
0x294: {  	s1 =	rddreg [dreg:$0xe];
	[sflag:s21] =	ssyncadd.s32 $0xFFFF8000  }
0x295: {  	[hbm4b:s1+s2] =	stream.linear.scatter [tilespmem:s19], [sflag:$0x6], $0x8000, $0x38;
	[tilespmem:$0x18000] =	vst v63  }
0x296: {  	_ =	swait.ge [sflag:s7], $0x8000  }
0x297: {  	[sflag:s7] =	ssyncset.done $0x0  }
0x298: {  	s1 =	rddreg [dreg:$0xf];
	[sflag:s7] =	ssyncadd.s32 $0xFFFF8000  }
0x299: {  	[tilespmem:s2], [sflag:$0x1] =	stream.linear.gather [hbm4b:s1+s2], $0x8000, $0x38;
	[tilespmem:$0x18000] =	vst v63  }
0x29a: {  	_ =	swait.ge [sflag:s13], $0x8000  }
0x29b: {  	[sflag:s13] =	ssyncset.done $0x0  }
0x29c: {  	s1 =	rddreg [dreg:$0x10];
	[sflag:s13] =	ssyncadd.s32 $0xFFFF8000  }
0x29d: {  	[hbm4b:s1+s2] =	stream.linear.scatter [tilespmem:s2], [sflag:$0x4], $0x8000, $0x38;
	[tilespmem:$0x18000] =	vst v63  }
0x29e: {  	_ =	swait.ge [sflag:s4], $0x8000  }
0x29f: {  	[sflag:s4] =	ssyncset.done $0x0  }
0x2a0: {  	s1 =	rddreg [dreg:$0x11];
	[sflag:s4] =	ssyncadd.s32 $0xFFFF8000  }
0x2a1: {  	[tilespmem:s6], [sflag:$0x2] =	stream.linear.gather [hbm4b:s1+s2], $0x8000, $0x38;
	[tilespmem:$0x18000] =	vst v63  }
0x2a2: {  	_ =	swait.ge [sflag:s10], $0x8000  }
0x2a3: {  	[sflag:s10] =	ssyncset.done $0x0  }
0x2a4: {  	s1 =	rddreg [dreg:$0x12];
	[sflag:s10] =	ssyncadd.s32 $0xFFFF8000  }
0x2a5: {  	[hbm4b:s1+s2] =	stream.linear.scatter [tilespmem:s6], [sflag:$0x5], $0x8000, $0x38;
	[tilespmem:$0x18000] =	vst v63  }
0x2a6: {  	_ =	swait.ge [sflag:s11], $0x8000  }
0x2a7: {  	[sflag:s11] =	ssyncset.done $0x0  }
0x2a8: {  	s1 =	rddreg [dreg:$0x13];
	[sflag:s11] =	ssyncadd.s32 $0xFFFF8000  }
0x2a9: {  	[tilespmem:s19], [sflag:$0x3] =	stream.linear.gather [hbm4b:s1+s2], $0x8000, $0x38;
	[tilespmem:$0x18000] =	vst v63  }
0x2aa: {  	_ =	swait.ge [sflag:s21], $0x8000  }
0x2ab: {  	[sflag:s21] =	ssyncset.done $0x0  }
0x2ac: {  	s1 =	rddreg [dreg:$0x14];
	[sflag:s21] =	ssyncadd.s32 $0xFFFF8000  }
0x2ad: {  	[hbm4b:s1+s2] =	stream.linear.scatter [tilespmem:s19], [sflag:$0x6], $0x8000, $0x38;
	[tilespmem:$0x18000] =	vst v63  }
0x2ae: {  	_ =	swait.ge [sflag:s7], $0x8000  }
0x2af: {  	[sflag:s7] =	ssyncset.done $0x0  }
0x2b0: {  	s1 =	rddreg [dreg:$0x15];
	[sflag:s7] =	ssyncadd.s32 $0xFFFF8000  }
0x2b1: {  	[tilespmem:s2], [sflag:$0x1] =	stream.linear.gather [hbm4b:s1+s2], $0x8000, $0x38;
	[tilespmem:$0x18000] =	vst v63  }
0x2b2: {  	_ =	swait.ge [sflag:s13], $0x8000  }
0x2b3: {  	[sflag:s13] =	ssyncset.done $0x0  }
0x2b4: {  	s1 =	rddreg [dreg:$0x16];
	[sflag:s13] =	ssyncadd.s32 $0xFFFF8000  }
0x2b5: {  	[hbm4b:s1+s2] =	stream.linear.scatter [tilespmem:s2], [sflag:$0x4], $0x8000, $0x38;
	[tilespmem:$0x18000] =	vst v63  }
0x2b6: {  	_ =	swait.ge [sflag:s4], $0x8000  }
0x2b7: {  	[sflag:s4] =	ssyncset.done $0x0  }
0x2b8: {  	s1 =	rddreg [dreg:$0x17];
	[sflag:s4] =	ssyncadd.s32 $0xFFFF8000  }
0x2b9: {  	[tilespmem:s6], [sflag:$0x2] =	stream.linear.gather [hbm4b:s1+s2], $0x8000, $0x38;
	[tilespmem:$0x18000] =	vst v63  }
0x2ba: {  	_ =	swait.ge [sflag:s10], $0x8000  }
0x2bb: {  	[sflag:s10] =	ssyncset.done $0x0  }
0x2bc: {  	s1 =	rddreg [dreg:$0x18];
	[sflag:s10] =	ssyncadd.s32 $0xFFFF8000  }
0x2bd: {  	[hbm4b:s1+s2] =	stream.linear.scatter [tilespmem:s6], [sflag:$0x5], $0x8000, $0x38;
	[tilespmem:$0x18000] =	vst v63  }
0x2be: {  	_ =	swait.ge [sflag:s11], $0x8000  }
0x2bf: {  	[sflag:s11] =	ssyncset.done $0x0  }
0x2c0: {  	s1 =	rddreg [dreg:$0x19];
	[sflag:s11] =	ssyncadd.s32 $0xFFFF8000  }
0x2c1: {  	[tilespmem:s19], [sflag:$0x3] =	stream.linear.gather [hbm4b:s1+s2], $0x8000, $0x38;
	[tilespmem:$0x18000] =	vst v63  }
0x2c2: {  	_ =	swait.ge [sflag:s21], $0x8000  }
0x2c3: {  	[sflag:s21] =	ssyncset.done $0x0  }
0x2c4: {  	s1 =	rddreg [dreg:$0x1a];
	[sflag:s21] =	ssyncadd.s32 $0xFFFF8000  }
0x2c5: {  	[hbm4b:s1+s2] =	stream.linear.scatter [tilespmem:s19], [sflag:$0x6], $0x8000, $0x38;
	[tilespmem:$0x18000] =	vst v63  }
0x2c6: {  	_ =	swait.ge [sflag:s7], $0x8000  }
0x2c7: {  	[sflag:s7] =	ssyncset.done $0x0  }
0x2c8: {  	s1 =	rddreg [dreg:$0x1b];
	[sflag:s7] =	ssyncadd.s32 $0xFFFF8000  }
0x2c9: {  	[tilespmem:s2], [sflag:$0x1] =	stream.linear.gather [hbm4b:s1+s2], $0x8000, $0x38;
	[tilespmem:$0x18000] =	vst v63  }
0x2ca: {  	_ =	swait.ge [sflag:s13], $0x8000  }
0x2cb: {  	[sflag:s13] =	ssyncset.done $0x0  }
0x2cc: {  	s1 =	rddreg [dreg:$0x1c];
	[sflag:s13] =	ssyncadd.s32 $0xFFFF8000  }
0x2cd: {  	[hbm4b:s1+s2] =	stream.linear.scatter [tilespmem:s2], [sflag:$0x4], $0x8000, $0x38;
	[tilespmem:$0x18000] =	vst v63  }
0x2ce: {  	_ =	swait.ge [sflag:s4], $0x8000  }
0x2cf: {  	[sflag:s4] =	ssyncset.done $0x0  }
0x2d0: {  	s1 =	rddreg [dreg:$0x1d];
	[sflag:s4] =	ssyncadd.s32 $0xFFFF8000  }
0x2d1: {  	[tilespmem:s6], [sflag:$0x2] =	stream.linear.gather [hbm4b:s1+s2], $0x8000, $0x38;
	[tilespmem:$0x18000] =	vst v63  }
0x2d2: {  	_ =	swait.ge [sflag:s10], $0x8000  }
0x2d3: {  	[sflag:s10] =	ssyncset.done $0x0  }
0x2d4: {  	s1 =	rddreg [dreg:$0x1e];
	[sflag:s10] =	ssyncadd.s32 $0xFFFF8000  }
0x2d5: {  	[hbm4b:s1+s2] =	stream.linear.scatter [tilespmem:s6], [sflag:$0x5], $0x8000, $0x38;
	[tilespmem:$0x18000] =	vst v63  }
0x2d6: {  	_ =	swait.ge [sflag:s11], $0x8000  }
0x2d7: {  	[sflag:s11] =	ssyncset.done $0x0  }
0x2d8: {  	s1 =	rddreg [dreg:$0x1f];
	[sflag:s11] =	ssyncadd.s32 $0xFFFF8000  }
0x2d9: {  	[tilespmem:s19], [sflag:$0x3] =	stream.linear.gather [hbm4b:s1+s2], $0x8000, $0x38;
	[tilespmem:$0x18000] =	vst v63  }
0x2da: {  	_ =	swait.ge [sflag:s21], $0x8000  }
0x2db: {  	s1 =	sld [smem:$0x7EF]  }
0x2dc: {  	[sflag:s21] =	ssyncset.done $0x0  }
0x2dd: {  	[sflag:s21] =	ssyncadd.s32 $0xFFFF8000  }
0x2de: {  	[hbm4b:s1+s2] =	stream.linear.scatter [tilespmem:s19], [sflag:$0x6], $0x8000, $0x38;
	[tilespmem:$0x18000] =	vst v63  }
0x2df: {  	_ =	swait.ge [sflag:s7], $0x8000  }
0x2e0: {  	s1 =	sld [smem:$0x7F0]  }
0x2e1: {  	[sflag:s7] =	ssyncset.done $0x0  }
0x2e2: {  	[sflag:s7] =	ssyncadd.s32 $0xFFFF8000  }
0x2e3: {  	[tilespmem:s2], [sflag:$0x1] =	stream.linear.gather [hbm4b:s1+s2], $0x8000, $0x38;
	[tilespmem:$0x18000] =	vst v63  }
0x2e4: {  	_ =	swait.ge [sflag:s13], $0x8000  }
0x2e5: {  	s1 =	sld [smem:$0x7F1]  }
0x2e6: {  	[sflag:s13] =	ssyncset.done $0x0  }
0x2e7: {  	[sflag:s13] =	ssyncadd.s32 $0xFFFF8000  }
0x2e8: {  	[hbm4b:s1+s2] =	stream.linear.scatter [tilespmem:s2], [sflag:$0x4], $0x8000, $0x38;
	[tilespmem:$0x18000] =	vst v63  }
0x2e9: {  	_ =	swait.ge [sflag:s4], $0x8000  }
0x2ea: {  	s1 =	sld [smem:$0x7F2]  }
0x2eb: {  	[sflag:s4] =	ssyncset.done $0x0  }
0x2ec: {  	[sflag:s4] =	ssyncadd.s32 $0xFFFF8000  }
0x2ed: {  	[tilespmem:s6], [sflag:$0x2] =	stream.linear.gather [hbm4b:s1+s2], $0x8000, $0x38;
	[tilespmem:$0x18000] =	vst v63  }
0x2ee: {  	_ =	swait.ge [sflag:s10], $0x8000  }
0x2ef: {  	s1 =	sld [smem:$0x7F3]  }
0x2f0: {  	[sflag:s10] =	ssyncset.done $0x0  }
0x2f1: {  	[sflag:s10] =	ssyncadd.s32 $0xFFFF8000  }
0x2f2: {  	[hbm4b:s1+s2] =	stream.linear.scatter [tilespmem:s6], [sflag:$0x5], $0x8000, $0x38;
	[tilespmem:$0x18000] =	vst v63  }
0x2f3: {  	_ =	swait.ge [sflag:s11], $0x8000  }
0x2f4: {  	s1 =	sld [smem:$0x7F4]  }
0x2f5: {  	[sflag:s11] =	ssyncset.done $0x0  }
0x2f6: {  	[sflag:s11] =	ssyncadd.s32 $0xFFFF8000  }
0x2f7: {  	[tilespmem:s19], [sflag:$0x3] =	stream.linear.gather [hbm4b:s1+s2], $0x8000, $0x38;
	[tilespmem:$0x18000] =	vst v63  }
0x2f8: {  	_ =	swait.ge [sflag:s21], $0x8000  }
0x2f9: {  	s1 =	sld [smem:$0x7F5]  }
0x2fa: {  	[sflag:s21] =	ssyncset.done $0x0  }
0x2fb: {  	[sflag:s21] =	ssyncadd.s32 $0xFFFF8000  }
0x2fc: {  	[hbm4b:s1+s2] =	stream.linear.scatter [tilespmem:s19], [sflag:$0x6], $0x8000, $0x38;
	[tilespmem:$0x18000] =	vst v63  }
0x2fd: {  	_ =	swait.ge [sflag:s7], $0x8000  }
0x2fe: {  	s1 =	sld [smem:$0x7F6]  }
0x2ff: {  	[sflag:s7] =	ssyncset.done $0x0  }
0x300: {  	[sflag:s7] =	ssyncadd.s32 $0xFFFF8000  }
0x301: {  	[tilespmem:s2], [sflag:$0x1] =	stream.linear.gather [hbm4b:s1+s2], $0x8000, $0x38;
	[tilespmem:$0x18000] =	vst v63  }
0x302: {  	_ =	swait.ge [sflag:s13], $0x8000  }
0x303: {  	s1 =	sld [smem:$0x7F7]  }
0x304: {  	[sflag:s13] =	ssyncset.done $0x0  }
0x305: {  	[sflag:s13] =	ssyncadd.s32 $0xFFFF8000  }
0x306: {  	[hbm4b:s1+s2] =	stream.linear.scatter [tilespmem:s2], [sflag:$0x4], $0x8000, $0x38;
	[tilespmem:$0x18000] =	vst v63  }
0x307: {  	_ =	swait.ge [sflag:s4], $0x8000  }
0x308: {  	s1 =	sld [smem:$0x7F8]  }
0x309: {  	[sflag:s4] =	ssyncset.done $0x0  }
0x30a: {  	[sflag:s4] =	ssyncadd.s32 $0xFFFF8000  }
0x30b: {  	[tilespmem:s6], [sflag:$0x2] =	stream.linear.gather [hbm4b:s1+s2], $0x8000, $0x38;
	[tilespmem:$0x18000] =	vst v63  }
0x30c: {  	_ =	swait.ge [sflag:s10], $0x8000  }
0x30d: {  	s1 =	sld [smem:$0x7F9]  }
0x30e: {  	[sflag:s10] =	ssyncset.done $0x0  }
0x30f: {  	[sflag:s10] =	ssyncadd.s32 $0xFFFF8000  }
0x310: {  	[hbm4b:s1+s2] =	stream.linear.scatter [tilespmem:s6], [sflag:$0x5], $0x8000, $0x38;
	[tilespmem:$0x18000] =	vst v63  }
0x311: {  	_ =	swait.ge [sflag:s11], $0x8000  }
0x312: {  	s1 =	sld [smem:$0x7FA]  }
0x313: {  	[sflag:s11] =	ssyncset.done $0x0  }
0x314: {  	[sflag:s11] =	ssyncadd.s32 $0xFFFF8000  }
0x315: {  	[tilespmem:s19], [sflag:$0x3] =	stream.linear.gather [hbm4b:s1+s2], $0x8000, $0x38;
	[tilespmem:$0x18000] =	vst v63  }
0x316: {  	_ =	swait.ge [sflag:s21], $0x8000  }
0x317: {  	s1 =	sld [smem:$0x7FB]  }
0x318: {  	[sflag:s21] =	ssyncset.done $0x0  }
0x319: {  	[sflag:s21] =	ssyncadd.s32 $0xFFFF8000  }
0x31a: {  	[hbm4b:s1+s2] =	stream.linear.scatter [tilespmem:s19], [sflag:$0x6], $0x8000, $0x38;
	[tilespmem:$0x18000] =	vst v63  }
0x31b: {  	_ =	swait.ge [sflag:s7], $0x8000  }
0x31c: {  	s1 =	sld [smem:$0x7FC]  }
0x31d: {  	[sflag:s7] =	ssyncset.done $0x0  }
0x31e: {  	[sflag:s7] =	ssyncadd.s32 $0xFFFF8000  }
0x31f: {  	[tilespmem:s2], [sflag:$0x1] =	stream.linear.gather [hbm4b:s1+s2], $0x8000, $0x38;
	[tilespmem:$0x18000] =	vst v63  }
0x320: {  	_ =	swait.ge [sflag:s13], $0x8000  }
0x321: {  	s1 =	sld [smem:$0x7FD]  }
0x322: {  	[sflag:s13] =	ssyncset.done $0x0  }
0x323: {  	[sflag:s13] =	ssyncadd.s32 $0xFFFF8000  }
0x324: {  	[hbm4b:s1+s2] =	stream.linear.scatter [tilespmem:s2], [sflag:$0x4], $0x8000, $0x38;
	[tilespmem:$0x18000] =	vst v63  }
0x325: {  	_ =	swait.ge [sflag:s4], $0x8000  }
0x326: {  	[sflag:s4] =	ssyncset.done $0x0  }
0x327: {  	[sflag:s4] =	ssyncadd.s32 $0xFFFF8000  }
0x328: {  	[tilespmem:s6], [sflag:$0x2] =	stream.linear.gather [hbm4b:s31+s2], $0x8000, $0x38;
	[tilespmem:$0x18000] =	vst v63  }
0x329: {  	_ =	swait.ge [sflag:s10], $0x8000  }
0x32a: {  	[sflag:s10] =	ssyncset.done $0x0  }
0x32b: {  	[sflag:s10] =	ssyncadd.s32 $0xFFFF8000  }
0x32c: {  	[hbm4b:s30+s2] =	stream.linear.scatter [tilespmem:s6], [sflag:$0x5], $0x8000, $0x38;
	[tilespmem:$0x18000] =	vst v63  }
0x32d: {  	_ =	swait.ge [sflag:s11], $0x8000  }
0x32e: {  	[sflag:s11] =	ssyncset.done $0x0  }
0x32f: {  	[sflag:s11] =	ssyncadd.s32 $0xFFFF8000  }
0x330: {  	[tilespmem:s19], [sflag:$0x3] =	stream.linear.gather [hbm4b:s29+s2], $0x8000, $0x38;
	[tilespmem:$0x18000] =	vst v63  }
0x331: {  	_ =	swait.ge [sflag:s21], $0x8000  }
0x332: {  	[sflag:s21] =	ssyncset.done $0x0  }
0x333: {  	[sflag:s21] =	ssyncadd.s32 $0xFFFF8000  }
0x334: {  	[hbm4b:s28+s2] =	stream.linear.scatter [tilespmem:s19], [sflag:$0x6], $0x8000, $0x38;
	[tilespmem:$0x18000] =	vst v63  }
0x335: {  	_ =	swait.ge [sflag:s7], $0x8000  }
0x336: {  	[sflag:s7] =	ssyncset.done $0x0  }
0x337: {  	[sflag:s7] =	ssyncadd.s32 $0xFFFF8000  }
0x338: {  	[tilespmem:s2], [sflag:$0x1] =	stream.linear.gather [hbm4b:s26+s2], $0x8000, $0x38;
	[tilespmem:$0x18000] =	vst v63  }
0x339: {  	_ =	swait.ge [sflag:s13], $0x8000  }
0x33a: {  	[sflag:s13] =	ssyncset.done $0x0  }
0x33b: {  	[sflag:s13] =	ssyncadd.s32 $0xFFFF8000  }
0x33c: {  	[hbm4b:s25+s2] =	stream.linear.scatter [tilespmem:s2], [sflag:$0x4], $0x8000, $0x38;
	[tilespmem:$0x18000] =	vst v63  }
0x33d: {  	_ =	swait.ge [sflag:s4], $0x8000  }
0x33e: {  	[sflag:s4] =	ssyncset.done $0x0  }
0x33f: {  	[sflag:s4] =	ssyncadd.s32 $0xFFFF8000  }
0x340: {  	[tilespmem:s6], [sflag:$0x2] =	stream.linear.gather [hbm4b:s24+s2], $0x8000, $0x38;
	[tilespmem:$0x18000] =	vst v63  }
0x341: {  	_ =	swait.ge [sflag:s10], $0x8000  }
0x342: {  	[sflag:s10] =	ssyncset.done $0x0  }
0x343: {  	[sflag:s10] =	ssyncadd.s32 $0xFFFF8000  }
0x344: {  	[hbm4b:s23+s2] =	stream.linear.scatter [tilespmem:s6], [sflag:$0x5], $0x8000, $0x38;
	[tilespmem:$0x18000] =	vst v63  }
0x345: {  	_ =	swait.ge [sflag:s11], $0x8000  }
0x346: {  	[sflag:s11] =	ssyncset.done $0x0  }
0x347: {  	[sflag:s11] =	ssyncadd.s32 $0xFFFF8000  }
0x348: {  	[tilespmem:s19], [sflag:$0x3] =	stream.linear.gather [hbm4b:s22+s2], $0x8000, $0x38;
	[tilespmem:$0x18000] =	vst v63  }
0x349: {  	_ =	swait.ge [sflag:s21], $0x8000  }
0x34a: {  	[sflag:s21] =	ssyncset.done $0x0  }
0x34b: {  	[sflag:s21] =	ssyncadd.s32 $0xFFFF8000  }
0x34c: {  	[hbm4b:s20+s2] =	stream.linear.scatter [tilespmem:s19], [sflag:$0x6], $0x8000, $0x38;
	[tilespmem:$0x18000] =	vst v63  }
0x34d: {  	_ =	swait.ge [sflag:s7], $0x8000  }
0x34e: {  	[sflag:s7] =	ssyncset.done $0x0  }
0x34f: {  	[sflag:s7] =	ssyncadd.s32 $0xFFFF8000  }
0x350: {  	[tilespmem:s2], [sflag:$0x1] =	stream.linear.gather [hbm4b:s18+s2], $0x8000, $0x38;
	[tilespmem:$0x18000] =	vst v63  }
0x351: {  	_ =	swait.ge [sflag:s13], $0x8000  }
0x352: {  	[sflag:s13] =	ssyncset.done $0x0  }
0x353: {  	[sflag:s13] =	ssyncadd.s32 $0xFFFF8000  }
0x354: {  	[hbm4b:s17+s2] =	stream.linear.scatter [tilespmem:s2], [sflag:$0x4], $0x8000, $0x38;
	[tilespmem:$0x18000] =	vst v63  }
0x355: {  	_ =	swait.ge [sflag:s4], $0x8000  }
0x356: {  	[sflag:s4] =	ssyncset.done $0x0  }
0x357: {  	[sflag:s4] =	ssyncadd.s32 $0xFFFF8000  }
0x358: {  	[tilespmem:s6], [sflag:$0x2] =	stream.linear.gather [hbm4b:s16+s2], $0x8000, $0x38;
	[tilespmem:$0x18000] =	vst v63  }
0x359: {  	_ =	swait.ge [sflag:s10], $0x8000  }
0x35a: {  	[sflag:s10] =	ssyncset.done $0x0  }
0x35b: {  	[sflag:s10] =	ssyncadd.s32 $0xFFFF8000  }
0x35c: {  	[hbm4b:s15+s2] =	stream.linear.scatter [tilespmem:s6], [sflag:$0x5], $0x8000, $0x38;
	[tilespmem:$0x18000] =	vst v63  }
0x35d: {  	_ =	swait.ge [sflag:s11], $0x8000  }
0x35e: {  	[sflag:s11] =	ssyncset.done $0x0  }
0x35f: {  	[sflag:s11] =	ssyncadd.s32 $0xFFFF8000  }
0x360: {  	[tilespmem:s19], [sflag:$0x3] =	stream.linear.gather [hbm4b:s14+s2], $0x8000, $0x38;
	[tilespmem:$0x18000] =	vst v63  }
0x361: {  	_ =	swait.ge [sflag:s21], $0x8000  }
0x362: {  	[sflag:s21] =	ssyncset.done $0x0  }
0x363: {  	[sflag:s21] =	ssyncadd.s32 $0xFFFF8000  }
0x364: {  	[hbm4b:s12+s2] =	stream.linear.scatter [tilespmem:s19], [sflag:$0x6], $0x8000, $0x38;
	[tilespmem:$0x18000] =	vst v63  }
0x365: {  	_ =	swait.ge [sflag:s7], $0x8000  }
0x366: {  	[sflag:s7] =	ssyncset.done $0x0  }
0x367: {  	[sflag:s7] =	ssyncadd.s32 $0xFFFF8000  }
0x368: {  	[tilespmem:s2], [sflag:$0x1] =	stream.linear.gather [hbm4b:s9+s2], $0x8000, $0x38;
	[tilespmem:$0x18000] =	vst v63  }
0x369: {  	_ =	swait.ge [sflag:s13], $0x8000  }
0x36a: {  	[sflag:s13] =	ssyncset.done $0x0  }
0x36b: {  	[sflag:s13] =	ssyncadd.s32 $0xFFFF8000  }
0x36c: {  	[hbm4b:s8+s2] =	stream.linear.scatter [tilespmem:s2], [sflag:$0x4], $0x8000, $0x38;
	[tilespmem:$0x18000] =	vst v63  }
0x36d: {  	_ =	swait.ge [sflag:s4], $0x8000  }
0x36e: {  	[sflag:s4] =	ssyncset.done $0x0  }
0x36f: {  	[sflag:s4] =	ssyncadd.s32 $0xFFFF8000  }
0x370: {  	[tilespmem:s6], [sflag:$0x2] =	stream.linear.gather [hbm4b:s5+s2], $0x8000, $0x38;
	[tilespmem:$0x18000] =	vst v63  }
0x371: {  	_ =	swait.ge [sflag:s10], $0x8000  }
0x372: {  	[sflag:s10] =	ssyncset.done $0x0  }
0x373: {  	[sflag:s10] =	ssyncadd.s32 $0xFFFF8000  }
0x374: {  	[hbm4b:s3+s2] =	stream.linear.scatter [tilespmem:s6], [sflag:$0x5], $0x8000, $0x38;
	[tilespmem:$0x18000] =	vst v63  }
0x375: {  	_ =	swait.ge [sflag:s11], $0x8000  }
0x376: {  	[sflag:s11] =	ssyncset.done $0x0  }
0x377: {  	[sflag:s11] =	ssyncadd.s32 $0xFFFF8000  }
0x378: {  	_ =	swait.ge [sflag:s7], $0x8000  }
0x379: {  	[sflag:s7] =	ssyncset.done $0x0  }
0x37a: {  	[sflag:s7] =	ssyncadd.s32 $0xFFFF8000  }
0x37b: {  	_ =	swait.ge [sflag:s4], $0x8000  }
0x37c: {  	[sflag:s4] =	ssyncset.done $0x0  }
0x37d: {  	[sflag:s4] =	ssyncadd.s32 $0xFFFF8000  }
0x37e: {  	_ =	sfence.sel $0x180000  }
0x37f: {  	[bflag:$0x0] =	sbarrier.arrive $0xFFFF  }
0x380: {  	_ =	strace $0x90000047  }
0x381: {  	s31 =	stileid.u32;
	[bflag:$0x2] =	sbarrier.arrive $0xFFFF  }
0x382: {  	p0 =	sne.s32 s31, $0x0;
	s0 =	rddreg [dreg:$0x2]  }
0x383: {  	s0 =	sadd.s32 @!p0 $0x100000, s0  }
0x384: {  	[sflag:s0] =	ssyncadd.tile.s32 @!p0 $0x1;
	_ =	shalt  }
.Lfunc_end2:
_tile_overlayer_lowered:
.L_overlay_start_2:
0x385: {  	(tag) =	ssettag $0x2  }
0x386: {  	s0 =	rddreg [dreg:$0x0];
	s2 =	stileid.u32  }
0x387: {  	s1 =	rddreg [dreg:$0x1];
	p0 =	sne.s32 s2, $0x0  }
0x388: {  	s3 =	rddreg [dreg:$0x2];
	[bflag:$0x3] =	sbarrier.arrive $0xFFFF;
	s2 =	simm.s32 @!p0 $0x1C07  }
0x389: {  	[timem:s3], [sflag:s2] =	dma.local @!p0 [hbm:s0], s1  }
0x38a: {  	s0 =	simm.s32 @!p0 $0x7  }
0x38b: {  	_ =	swait.ge @!p0 [sflag:s0], s1  }
0x38c: {  	s1 =	ssub.s32 @!p0 $0x0, s1;
	[sflag:s0] =	ssyncset.done @!p0 $0x0  }
0x38d: {  	[sflag:s0] =	ssyncadd.s32 @!p0 s1  }
0x38e: {  	[bflag:$0x3] =	sbarrier.arrive $0xFFFF  }
0x38f: {  	_ =	shalt  }

</sc_bundles>
